<compile_context>
chip_gen: v7x
topology: tpu7x:2x2x1
jax: 0.10.2.dev20260603
libtpu: 0.0.44.dev20260713+nightly
codegen_flags: <defaults>
</compile_context>

<pallas_src>
import functools

import jax
import jax.numpy as jnp
from jax import lax
from jax.experimental import pallas as pl
from jax.experimental.pallas import tpu as pltpu
from jax.experimental.pallas import tpu_sc as plsc

H = 12
M_LANDMARKS = 256
TOPK = 4
NEG = -1e30
BIG = 1024.0
BF = jnp.bfloat16


def _mm(a, b, dims):
    return jax.lax.dot_general(a.astype(BF), b.astype(BF), (dims, ((), ())),
                               preferred_element_type=jnp.float32)


def _qkv_kernel(x_ref, w_ref, o_ref):
    o_ref[...] = _mm(x_ref[...], w_ref[...], ((1,), (1,)))


def _rs_kernel(q_ref, k_ref, o_ref, *, seg, hd):
    n = k_ref.shape[0]
    m = n // seg
    for half in range(2):
        sl = slice(half * hd, (half + 1) * hd)
        k = k_ref[:, sl]
        cent = jnp.mean(k.reshape(m, seg, hd), axis=1)
        o_ref[half] = _mm(cent, q_ref[:, sl], ((1,), (1,)))


def _sc_topk(rs_ref, idx_ref, slab, buf, *, groups_per_w, gph, m):
    wid = lax.axis_index("s") * 2 + lax.axis_index("c")

    def group_body(t, carry):
        gg = wid * groups_per_w + t
        h = gg // gph
        g = gg - h * gph
        pltpu.sync_copy(rs_ref.at[h, :, pl.ds(g * 128, 128)], slab)

        neg = jnp.full((16,), NEG, jnp.float32)
        iinit = jnp.full((16,), m, jnp.int32)

        for sg in range(8):
            def seg_body(j, c, sg=sg):
                t0, t1, t2, t3, i0, i1, i2, i3 = c
                v = slab[j, pl.ds(sg * 16, 16)]
                jv = jnp.zeros((16,), jnp.int32) + j
                g0 = v > t0
                g1 = v > t1
                g2 = v > t2
                g3 = v > t3
                nt0 = jnp.where(g0, v, t0)
                ni0 = jnp.where(g0, jv, i0)
                nt1 = jnp.where(g0, t0, jnp.where(g1, v, t1))
                ni1 = jnp.where(g0, i0, jnp.where(g1, jv, i1))
                nt2 = jnp.where(g1, t1, jnp.where(g2, v, t2))
                ni2 = jnp.where(g1, i1, jnp.where(g2, jv, i2))
                nt3 = jnp.where(g2, t2, jnp.where(g3, v, t3))
                ni3 = jnp.where(g2, i2, jnp.where(g3, jv, i3))
                return (nt0, nt1, nt2, nt3, ni0, ni1, ni2, ni3)

            res = lax.fori_loop(0, m, seg_body,
                                (neg, neg, neg, neg,
                                 iinit, iinit, iinit, iinit))
            for tt in range(TOPK):
                buf[tt, pl.ds(sg * 16, 16)] = res[4 + tt]
        pltpu.sync_copy(buf, idx_ref.at[h, :, pl.ds(g * 128, 128)])
        return carry

    lax.fori_loop(0, groups_per_w, group_body, 0)


def _attn_kernel(q_ref, k_ref, v_ref, idx_ref, r_ref, wp_ref, b_ref, o_ref,
                 *, seg, scale, hd):
    hp = pl.program_id(1)
    bq = q_ref.shape[0]
    n = k_ref.shape[0]
    m = n // seg
    seg_sub = jax.lax.broadcasted_iota(jnp.int32, (m, bq), 0)
    rbf = r_ref[...]

    @pl.when(hp == 0)
    def _():
        o_ref[...] = jnp.broadcast_to(b_ref[...], o_ref.shape)

    o_halves = []
    for half in range(2):
        sl = slice(half * hd, (half + 1) * hd)
        q = q_ref[:, sl]
        k = k_ref[:, sl]
        v = v_ref[:, sl]

        idxs = idx_ref[half]
        eqT = seg_sub == idxs[0:1, :]
        for t in range(1, TOPK):
            eqT = eqT | (seg_sub == idxs[t:t + 1, :])
        selbigT = jnp.where(eqT, BIG, 0.0)

        s = _mm(q * scale, k, ((1,), (1,)))
        s = s + _mm(selbigT, rbf, ((0,), (1,)))
        mxs = jnp.max(s, axis=1, keepdims=True)
        e = jnp.exp(s - mxs)
        p = e * (1.0 / jnp.sum(e, axis=1, keepdims=True))
        o_halves.append(_mm(p, v, ((1,), (0,))))

    o_pair = jnp.concatenate(o_halves, axis=1)
    o_ref[...] += _mm(o_pair, wp_ref[...], ((1,), (1,)))


@functools.partial(jax.jit, static_argnames=("interpret",))
def kernel(x, W_qkv, W_proj, b_proj, interpret=False):
    Bb, Nn, Cc = x.shape
    hd = Cc // H
    scale = hd ** (-0.5)
    m = min(M_LANDMARKS, Nn)
    seg = (Nn + m - 1) // m

    xf = x.reshape(Bb * Nn, Cc)
    bn = Bb * Nn
    blk = 256
    grid_a = (bn // blk,)

    qkv = pl.pallas_call(
        _qkv_kernel,
        grid=grid_a,
        in_specs=[
            pl.BlockSpec((blk, Cc), lambda i: (i, 0)),
            pl.BlockSpec((3 * Cc, Cc), lambda i: (0, 0)),
        ],
        out_specs=pl.BlockSpec((blk, 3 * Cc), lambda i: (i, 0)),
        out_shape=jax.ShapeDtypeStruct((bn, 3 * Cc), jnp.float32),
        interpret=interpret,
    )(xf, W_qkv)

    hp = H // 2

    rs_all = pl.pallas_call(
        functools.partial(_rs_kernel, seg=seg, hd=hd),
        grid=(hp,),
        in_specs=[
            pl.BlockSpec((Nn, 2 * hd), lambda h: (0, h)),
            pl.BlockSpec((Nn, 2 * hd), lambda h: (0, hp + h)),
        ],
        out_specs=pl.BlockSpec((2, m, Nn), lambda h: (h, 0, 0)),
        out_shape=jax.ShapeDtypeStruct((H, m, Nn), jnp.float32),
        interpret=interpret,
    )(qkv, qkv)

    n_workers = 32
    groups = H * (Nn // 128)
    gph = Nn // 128
    mesh = plsc.VectorSubcoreMesh(core_axis_name="c", subcore_axis_name="s",
                                  num_cores=2)
    idx_all = pl.kernel(
        functools.partial(_sc_topk, groups_per_w=groups // n_workers,
                          gph=gph, m=m),
        mesh=mesh,
        out_type=jax.ShapeDtypeStruct((H, TOPK, Nn), jnp.int32),
        scratch_types=[
            pltpu.VMEM((m, 128), jnp.float32),
            pltpu.VMEM((TOPK, 128), jnp.int32),
        ],
    )(rs_all)

    rbf = (jnp.arange(Nn, dtype=jnp.int32)[:, None] // seg
           == jnp.arange(m, dtype=jnp.int32)[None, :]).astype(BF)

    bq = 2048
    grid_b = (Nn // bq, hp)
    out = pl.pallas_call(
        functools.partial(_attn_kernel, seg=seg, scale=scale, hd=hd),
        grid=grid_b,
        in_specs=[
            pl.BlockSpec((bq, 2 * hd), lambda i, h: (i, h)),
            pl.BlockSpec((Nn, 2 * hd), lambda i, h: (0, hp + h)),
            pl.BlockSpec((Nn, 2 * hd), lambda i, h: (0, 2 * hp + h)),
            pl.BlockSpec((2, TOPK, Nn), lambda i, h: (h, 0, 0)),
            pl.BlockSpec((Nn, m), lambda i, h: (0, 0)),
            pl.BlockSpec((Cc, 2 * hd), lambda i, h: (0, h)),
            pl.BlockSpec((1, Cc), lambda i, h: (0, 0)),
        ],
        out_specs=pl.BlockSpec((bq, Cc), lambda i, h: (i, 0)),
        out_shape=jax.ShapeDtypeStruct((bn, Cc), jnp.float32),
        interpret=interpret,
    )(qkv, qkv, qkv, idx_all, rbf, W_proj, b_proj.reshape(1, Cc))

    return out.reshape(Bb, Nn, Cc)

# --- scband reference (transcript-rebuilt; emitter-appended) ---
"""Pipeline reference for scband-annaattention-17609365914146 (READ-ONLY COPY).

The authoritative reference and input builder live on the scoring server;
editing this copy changes nothing except your own understanding.
"""

import jax, jax.numpy as jnp
import numpy as np

B, N, C = 1, 2048, 768
H = 12
HD = C // H
M_LANDMARKS = 256
TOPK = 4


def setup_inputs(seed: int = 0) -> dict:
    key = jax.random.key(seed)
    k1, k2, k3 = jax.random.split(key, 3)
    x = jax.random.normal(k1, (B, N, C), dtype=jnp.float32)
    W_qkv = jax.random.normal(k2, (3 * C, C), dtype=jnp.float32) * 0.02
    W_proj = jax.random.normal(k3, (C, C), dtype=jnp.float32) * 0.02
    b_proj = jnp.zeros((C,), dtype=jnp.float32)
    return {"x": x, "W_qkv": W_qkv, "W_proj": W_proj, "b_proj": b_proj}


def reference(x, W_qkv, W_proj, b_proj):
    Bb, Nn, Cc = x.shape
    head_dim = Cc // H
    scale = head_dim ** (-0.5)
    m = min(M_LANDMARKS, Nn)
    k_land = min(TOPK, m)

    qkv = x @ W_qkv.T  # (B, N, 3C)
    qkv = qkv.reshape(Bb, Nn, 3, H, head_dim).transpose(2, 0, 3, 1, 4)
    q, k, v = qkv[0], qkv[1], qkv[2]  # (B, H, N, D)

    seg = (Nn + m - 1) // m
    pad = seg * m - Nn

    def segmentize(t):
        if pad > 0:
            t = jnp.pad(t, ((0, 0), (0, 0), (0, pad), (0, 0)))
        return t.reshape(Bb, H, m, seg, head_dim)

    k_seg = segmentize(k)
    v_seg = segmentize(v)

    k_centroids = k_seg.mean(axis=3)  # (B, H, m, D)
    route_scores = jnp.einsum('bhnd,bhmd->bhnm', q, k_centroids) * scale
    _, topk_idx = jax.lax.top_k(route_scores, k_land)  # (B, H, N, k)

    b_idx = jnp.arange(Bb)[:, None, None, None]
    h_idx = jnp.arange(H)[None, :, None, None]
    sel_k = k_seg[b_idx, h_idx, topk_idx]  # (B, H, N, k, seg, D)
    sel_v = v_seg[b_idx, h_idx, topk_idx]
    L = k_land * seg
    sel_k = sel_k.reshape(Bb, H, Nn, L, head_dim)
    sel_v = sel_v.reshape(Bb, H, Nn, L, head_dim)

    attn = jnp.einsum('bhnd,bhnld->bhnl', q, sel_k) * scale
    attn = jax.nn.softmax(attn, axis=-1)
    out = jnp.einsum('bhnl,bhnld->bhnd', attn, sel_v)  # (B, H, N, D)
    out = out.transpose(0, 2, 1, 3).reshape(Bb, Nn, Cc)
    out = out @ W_proj.T + b_proj
    return out

if __name__ == "__main__":
    import jax
    _d = setup_inputs()
    print(jax.jit(kernel)(*tuple(_d.values())))

</pallas_src>

<mosaic_0001>
#map = affine_map<(d0, d1) -> (0, 0, 0)>
module attributes {stable_mosaic.version = 14 : i64} {
  func.func @_sc_topk(%arg0: i32, %arg1: i32, %arg2: memref<12x256x2048xf32, #tpu.memory_space<hbm>>, %arg3: memref<12x4x2048xi32, #tpu.memory_space<hbm>>, %arg4: memref<256x128xf32, #tpu.memory_space<vmem>>, %arg5: memref<4x128xi32, #tpu.memory_space<vmem>>) attributes {dimension_semantics = [#tpu.dimension_semantics<core_parallel>, #tpu.dimension_semantics<subcore_parallel>], iteration_bounds = array<i64: 2, 16>, scalar_prefetch = 0 : i64, scratch_operands = 2 : i64, tpu.core_type = #tpu.core_type<sc_vector_subcore>, window_params = [{transform_indices = #map}, {transform_indices = #map}]} {
    %mul3A = arith.constant 2 : i32
    %mul3A_0 = arith.muli %arg1, %mul3A : i32
    %add3A = arith.addi %mul3A_0, %arg0 : i32
    %scan3A = arith.constant 0 : i32
    %scan3A_1 = arith.constant 0 : i32
    %scan3A_2 = arith.constant 6 : i32
    %scan3A_3 = arith.addi %scan3A_1, %scan3A_2 : i32
    %scan3A_4 = arith.constant 1 : i32
    scf.for %scan3A_6 = %scan3A_1 to %scan3A_3 step %scan3A_4  : i32 {
      %mul3A_7 = arith.constant 6 : i32
      %mul3A_8 = arith.muli %add3A, %mul3A_7 : i32
      %add3A_9 = arith.addi %mul3A_8, %scan3A_6 : i32
      %jit3A = arith.constant 16 : i32
      %div3A = arith.divsi %add3A_9, %jit3A : i32
      %sign3A = arith.constant 0 : i32
      %sign3A_10 = arith.cmpi sgt, %add3A_9, %sign3A : i32
      %sign3A_11 = arith.extui %sign3A_10 : i1 to i32
      %sign3A_12 = arith.constant 0 : i32
      %sign3A_13 = arith.cmpi slt, %add3A_9, %sign3A_12 : i32
      %sign3A_14 = arith.extui %sign3A_13 : i1 to i32
      %sign3A_15 = arith.subi %sign3A_11, %sign3A_14 : i32
      %sign3A_16 = arith.constant 0 : i32
      %sign3A_17 = arith.cmpi sgt, %jit3A, %sign3A_16 : i32
      %sign3A_18 = arith.extui %sign3A_17 : i1 to i32
      %sign3A_19 = arith.constant 0 : i32
      %sign3A_20 = arith.cmpi slt, %jit3A, %sign3A_19 : i32
      %sign3A_21 = arith.extui %sign3A_20 : i1 to i32
      %sign3A_22 = arith.subi %sign3A_18, %sign3A_21 : i32
      %ne3A = arith.cmpi ne, %sign3A_15, %sign3A_22 : i32
      %rem3A = arith.remsi %add3A_9, %jit3A : i32
      %ne3A_23 = arith.constant 0 : i32
      %ne3A_24 = arith.cmpi ne, %rem3A, %ne3A_23 : i32
      %and3A = arith.andi %ne3A, %ne3A_24 : i1
      %sub3A = arith.constant 1 : i32
      %sub3A_25 = arith.subi %div3A, %sub3A : i32
      %select_n3A = arith.select %and3A, %sub3A_25, %div3A : i32
      %mul3A_26 = arith.constant 16 : i32
      %mul3A_27 = arith.muli %select_n3A, %mul3A_26 : i32
      %sub3A_28 = arith.subi %add3A_9, %mul3A_27 : i32
      %mul3A_29 = arith.constant 128 : i32
      %mul3A_30 = arith.muli %sub3A_28, %mul3A_29 : i32
      "tpu.region"() ({
        %run_scoped3A = tpu.sem_alloc : memref<!tpu.dma_semaphore, #tpu.memory_space<semaphore_mem>>
        %dma_start3A = arith.constant 0 : i32
        %dma_start3A_275 = tpu.memref_slice %arg2[%select_n3A, %dma_start3A, %mul3A_30] : memref<12x256x2048xf32, #tpu.memory_space<hbm>> -> memref<1x256x128xf32, #tpu.memory_space<hbm>>
        %dma_start3A_276 = tpu.memref_squeeze %dma_start3A_275 : memref<1x256x128xf32, #tpu.memory_space<hbm>> -> memref<256x128xf32, #tpu.memory_space<hbm>>
        %dma_start3A_277 = arith.constant 0 : i32
        %dma_start3A_278 = tpu.memref_slice %arg2[%select_n3A, %dma_start3A_277, %mul3A_30] : memref<12x256x2048xf32, #tpu.memory_space<hbm>> -> memref<1x256x128xf32, #tpu.memory_space<hbm>>
        %dma_start3A_279 = tpu.memref_squeeze %dma_start3A_278 : memref<1x256x128xf32, #tpu.memory_space<hbm>> -> memref<256x128xf32, #tpu.memory_space<hbm>>
        tpu.enqueue_dma source(%dma_start3A_279 : memref<256x128xf32, #tpu.memory_space<hbm>>) target(%arg4 : memref<256x128xf32, #tpu.memory_space<vmem>>) target_semaphore(%run_scoped3A : memref<!tpu.dma_semaphore, #tpu.memory_space<semaphore_mem>>)
        %dma_wait3A = arith.constant 0 : i32
        %dma_wait3A_280 = tpu.memref_slice %arg2[%select_n3A, %dma_wait3A, %mul3A_30] : memref<12x256x2048xf32, #tpu.memory_space<hbm>> -> memref<1x256x128xf32, #tpu.memory_space<hbm>>
        %dma_wait3A_281 = tpu.memref_squeeze %dma_wait3A_280 : memref<1x256x128xf32, #tpu.memory_space<hbm>> -> memref<256x128xf32, #tpu.memory_space<hbm>>
        %dma_wait3A_282 = arith.constant 0 : i32
        %dma_wait3A_283 = tpu.memref_slice %arg2[%select_n3A, %dma_wait3A_282, %mul3A_30] : memref<12x256x2048xf32, #tpu.memory_space<hbm>> -> memref<1x256x128xf32, #tpu.memory_space<hbm>>
        %dma_wait3A_284 = tpu.memref_squeeze %dma_wait3A_283 : memref<1x256x128xf32, #tpu.memory_space<hbm>> -> memref<256x128xf32, #tpu.memory_space<hbm>>
        tpu.wait_dma2 semaphore(%run_scoped3A : memref<!tpu.dma_semaphore, #tpu.memory_space<semaphore_mem>>) src(%dma_wait3A_284 : memref<256x128xf32, #tpu.memory_space<hbm>>) dst(%arg4 : memref<256x128xf32, #tpu.memory_space<vmem>>)
        tpu.yield
      }) : () -> ()
      %broadcast_in_dim3A = arith.constant -1.000000e+30 : f32
      %broadcast_in_dim3A_31 = vector.broadcast %broadcast_in_dim3A : f32 to vector<16xf32>
      %broadcast_in_dim3A_32 = arith.constant 256 : i32
      %broadcast_in_dim3A_33 = vector.broadcast %broadcast_in_dim3A_32 : i32 to vector<16xi32>
      %scan3A_34 = arith.constant 0 : i32
      %scan3A_35 = arith.constant 256 : i32
      %scan3A_36 = arith.addi %scan3A_34, %scan3A_35 : i32
      %scan3A_37 = arith.constant 1 : i32
      %scan3A_38:8 = scf.for %scan3A_275 = %scan3A_34 to %scan3A_36 step %scan3A_37 iter_args(%scan3A_276 = %broadcast_in_dim3A_31, %scan3A_277 = %broadcast_in_dim3A_31, %scan3A_278 = %broadcast_in_dim3A_31, %scan3A_279 = %broadcast_in_dim3A_31, %scan3A_280 = %broadcast_in_dim3A_33, %scan3A_281 = %broadcast_in_dim3A_33, %scan3A_282 = %broadcast_in_dim3A_33, %scan3A_283 = %broadcast_in_dim3A_33) -> (vector<16xf32>, vector<16xf32>, vector<16xf32>, vector<16xf32>, vector<16xi32>, vector<16xi32>, vector<16xi32>, vector<16xi32>)  : i32 {
        %get3A = arith.index_cast %scan3A_275 : i32 to index
        %get3A_284 = arith.constant 0 : index
        %get3A_285 = tpu.vector_load %arg4[%get3A, %get3A_284] {strides = array<i32>} : memref<256x128xf32, #tpu.memory_space<vmem>>, vector<1x16xf32>,
        %get3A_286 = vector.shape_cast %get3A_285 : vector<1x16xf32> to vector<16xf32>
        %broadcast_in_dim3A_287 = arith.constant 0 : i32
        %broadcast_in_dim3A_288 = vector.broadcast %broadcast_in_dim3A_287 : i32 to vector<16xi32>
        %add3A_289 = vector.broadcast %scan3A_275 : i32 to vector<16xi32>
        %add3A_290 = arith.addi %broadcast_in_dim3A_288, %add3A_289 : vector<16xi32>
        %gt3A = arith.cmpf ogt, %get3A_286, %scan3A_276 : vector<16xf32>
        %gt3A_291 = arith.cmpf ogt, %get3A_286, %scan3A_277 : vector<16xf32>
        %gt3A_292 = arith.cmpf ogt, %get3A_286, %scan3A_278 : vector<16xf32>
        %gt3A_293 = arith.cmpf ogt, %get3A_286, %scan3A_279 : vector<16xf32>
        %select_n3A_294 = arith.select %gt3A, %get3A_286, %scan3A_276 : vector<16xi1>, vector<16xf32>
        %select_n3A_295 = arith.select %gt3A, %add3A_290, %scan3A_280 : vector<16xi1>, vector<16xi32>
        %select_n3A_296 = arith.select %gt3A_291, %get3A_286, %scan3A_277 : vector<16xi1>, vector<16xf32>
        %select_n3A_297 = arith.select %gt3A, %scan3A_276, %select_n3A_296 : vector<16xi1>, vector<16xf32>
        %select_n3A_298 = arith.select %gt3A_291, %add3A_290, %scan3A_281 : vector<16xi1>, vector<16xi32>
        %select_n3A_299 = arith.select %gt3A, %scan3A_280, %select_n3A_298 : vector<16xi1>, vector<16xi32>
        %select_n3A_300 = arith.select %gt3A_292, %get3A_286, %scan3A_278 : vector<16xi1>, vector<16xf32>
        %select_n3A_301 = arith.select %gt3A_291, %scan3A_277, %select_n3A_300 : vector<16xi1>, vector<16xf32>
        %select_n3A_302 = arith.select %gt3A_292, %add3A_290, %scan3A_282 : vector<16xi1>, vector<16xi32>
        %select_n3A_303 = arith.select %gt3A_291, %scan3A_281, %select_n3A_302 : vector<16xi1>, vector<16xi32>
        %select_n3A_304 = arith.select %gt3A_293, %get3A_286, %scan3A_279 : vector<16xi1>, vector<16xf32>
        %select_n3A_305 = arith.select %gt3A_292, %scan3A_278, %select_n3A_304 : vector<16xi1>, vector<16xf32>
        %select_n3A_306 = arith.select %gt3A_293, %add3A_290, %scan3A_283 : vector<16xi1>, vector<16xi32>
        %select_n3A_307 = arith.select %gt3A_292, %scan3A_282, %select_n3A_306 : vector<16xi1>, vector<16xi32>
        scf.yield %select_n3A_294, %select_n3A_297, %select_n3A_301, %select_n3A_305, %select_n3A_295, %select_n3A_299, %select_n3A_303, %select_n3A_307 : vector<16xf32>, vector<16xf32>, vector<16xf32>, vector<16xf32>, vector<16xi32>, vector<16xi32>, vector<16xi32>, vector<16xi32>
      }
      %scan3A_39 = arith.constant 256 : i32
      %swap3A = arith.constant 0 : i32
      %swap3A_40 = arith.index_cast %swap3A : i32 to index
      %swap3A_41 = arith.constant 0 : index
      %swap3A_42 = tpu.vector_load %arg5[%swap3A_40, %swap3A_41] {strides = array<i32>} : memref<4x128xi32, #tpu.memory_space<vmem>>, vector<1x16xi32>,
      %swap3A_43 = vector.shape_cast %swap3A_42 : vector<1x16xi32> to vector<16xi32>
      %swap3A_44 = vector.shape_cast %scan3A_38#4 : vector<16xi32> to vector<1x16xi32>
      tpu.vector_store %arg5[%swap3A_40, %swap3A_41], %swap3A_44 {strides = array<i32>} : memref<4x128xi32, #tpu.memory_space<vmem>>, vector<1x16xi32>,
      %swap3A_45 = arith.constant 1 : i32
      %swap3A_46 = arith.index_cast %swap3A_45 : i32 to index
      %swap3A_47 = arith.constant 0 : index
      %swap3A_48 = tpu.vector_load %arg5[%swap3A_46, %swap3A_47] {strides = array<i32>} : memref<4x128xi32, #tpu.memory_space<vmem>>, vector<1x16xi32>,
      %swap3A_49 = vector.shape_cast %swap3A_48 : vector<1x16xi32> to vector<16xi32>
      %swap3A_50 = vector.shape_cast %scan3A_38#5 : vector<16xi32> to vector<1x16xi32>
      tpu.vector_store %arg5[%swap3A_46, %swap3A_47], %swap3A_50 {strides = array<i32>} : memref<4x128xi32, #tpu.memory_space<vmem>>, vector<1x16xi32>,
      %swap3A_51 = arith.constant 2 : i32
      %swap3A_52 = arith.index_cast %swap3A_51 : i32 to index
      %swap3A_53 = arith.constant 0 : index
      %swap3A_54 = tpu.vector_load %arg5[%swap3A_52, %swap3A_53] {strides = array<i32>} : memref<4x128xi32, #tpu.memory_space<vmem>>, vector<1x16xi32>,
      %swap3A_55 = vector.shape_cast %swap3A_54 : vector<1x16xi32> to vector<16xi32>
      %swap3A_56 = vector.shape_cast %scan3A_38#6 : vector<16xi32> to vector<1x16xi32>
      tpu.vector_store %arg5[%swap3A_52, %swap3A_53], %swap3A_56 {strides = array<i32>} : memref<4x128xi32, #tpu.memory_space<vmem>>, vector<1x16xi32>,
      %swap3A_57 = arith.constant 3 : i32
      %swap3A_58 = arith.index_cast %swap3A_57 : i32 to index
      %swap3A_59 = arith.constant 0 : index
      %swap3A_60 = tpu.vector_load %arg5[%swap3A_58, %swap3A_59] {strides = array<i32>} : memref<4x128xi32, #tpu.memory_space<vmem>>, vector<1x16xi32>,
      %swap3A_61 = vector.shape_cast %swap3A_60 : vector<1x16xi32> to vector<16xi32>
      %swap3A_62 = vector.shape_cast %scan3A_38#7 : vector<16xi32> to vector<1x16xi32>
      tpu.vector_store %arg5[%swap3A_58, %swap3A_59], %swap3A_62 {strides = array<i32>} : memref<4x128xi32, #tpu.memory_space<vmem>>, vector<1x16xi32>,
      %scan3A_63 = arith.constant 0 : i32
      %scan3A_64 = arith.constant 256 : i32
      %scan3A_65 = arith.addi %scan3A_63, %scan3A_64 : i32
      %scan3A_66 = arith.constant 1 : i32
      %scan3A_67:8 = scf.for %scan3A_275 = %scan3A_63 to %scan3A_65 step %scan3A_66 iter_args(%scan3A_276 = %broadcast_in_dim3A_31, %scan3A_277 = %broadcast_in_dim3A_31, %scan3A_278 = %broadcast_in_dim3A_31, %scan3A_279 = %broadcast_in_dim3A_31, %scan3A_280 = %broadcast_in_dim3A_33, %scan3A_281 = %broadcast_in_dim3A_33, %scan3A_282 = %broadcast_in_dim3A_33, %scan3A_283 = %broadcast_in_dim3A_33) -> (vector<16xf32>, vector<16xf32>, vector<16xf32>, vector<16xf32>, vector<16xi32>, vector<16xi32>, vector<16xi32>, vector<16xi32>)  : i32 {
        %get3A = arith.index_cast %scan3A_275 : i32 to index
        %get3A_284 = arith.constant 16 : index
        %get3A_285 = tpu.vector_load %arg4[%get3A, %get3A_284] {strides = array<i32>} : memref<256x128xf32, #tpu.memory_space<vmem>>, vector<1x16xf32>,
        %get3A_286 = vector.shape_cast %get3A_285 : vector<1x16xf32> to vector<16xf32>
        %broadcast_in_dim3A_287 = arith.constant 0 : i32
        %broadcast_in_dim3A_288 = vector.broadcast %broadcast_in_dim3A_287 : i32 to vector<16xi32>
        %add3A_289 = vector.broadcast %scan3A_275 : i32 to vector<16xi32>
        %add3A_290 = arith.addi %broadcast_in_dim3A_288, %add3A_289 : vector<16xi32>
        %gt3A = arith.cmpf ogt, %get3A_286, %scan3A_276 : vector<16xf32>
        %gt3A_291 = arith.cmpf ogt, %get3A_286, %scan3A_277 : vector<16xf32>
        %gt3A_292 = arith.cmpf ogt, %get3A_286, %scan3A_278 : vector<16xf32>
        %gt3A_293 = arith.cmpf ogt, %get3A_286, %scan3A_279 : vector<16xf32>
        %select_n3A_294 = arith.select %gt3A, %get3A_286, %scan3A_276 : vector<16xi1>, vector<16xf32>
        %select_n3A_295 = arith.select %gt3A, %add3A_290, %scan3A_280 : vector<16xi1>, vector<16xi32>
        %select_n3A_296 = arith.select %gt3A_291, %get3A_286, %scan3A_277 : vector<16xi1>, vector<16xf32>
        %select_n3A_297 = arith.select %gt3A, %scan3A_276, %select_n3A_296 : vector<16xi1>, vector<16xf32>
        %select_n3A_298 = arith.select %gt3A_291, %add3A_290, %scan3A_281 : vector<16xi1>, vector<16xi32>
        %select_n3A_299 = arith.select %gt3A, %scan3A_280, %select_n3A_298 : vector<16xi1>, vector<16xi32>
        %select_n3A_300 = arith.select %gt3A_292, %get3A_286, %scan3A_278 : vector<16xi1>, vector<16xf32>
        %select_n3A_301 = arith.select %gt3A_291, %scan3A_277, %select_n3A_300 : vector<16xi1>, vector<16xf32>
        %select_n3A_302 = arith.select %gt3A_292, %add3A_290, %scan3A_282 : vector<16xi1>, vector<16xi32>
        %select_n3A_303 = arith.select %gt3A_291, %scan3A_281, %select_n3A_302 : vector<16xi1>, vector<16xi32>
        %select_n3A_304 = arith.select %gt3A_293, %get3A_286, %scan3A_279 : vector<16xi1>, vector<16xf32>
        %select_n3A_305 = arith.select %gt3A_292, %scan3A_278, %select_n3A_304 : vector<16xi1>, vector<16xf32>
        %select_n3A_306 = arith.select %gt3A_293, %add3A_290, %scan3A_283 : vector<16xi1>, vector<16xi32>
        %select_n3A_307 = arith.select %gt3A_292, %scan3A_282, %select_n3A_306 : vector<16xi1>, vector<16xi32>
        scf.yield %select_n3A_294, %select_n3A_297, %select_n3A_301, %select_n3A_305, %select_n3A_295, %select_n3A_299, %select_n3A_303, %select_n3A_307 : vector<16xf32>, vector<16xf32>, vector<16xf32>, vector<16xf32>, vector<16xi32>, vector<16xi32>, vector<16xi32>, vector<16xi32>
      }
      %scan3A_68 = arith.constant 256 : i32
      %swap3A_69 = arith.constant 0 : i32
      %swap3A_70 = arith.index_cast %swap3A_69 : i32 to index
      %swap3A_71 = arith.constant 16 : index
      %swap3A_72 = tpu.vector_load %arg5[%swap3A_70, %swap3A_71] {strides = array<i32>} : memref<4x128xi32, #tpu.memory_space<vmem>>, vector<1x16xi32>,
      %swap3A_73 = vector.shape_cast %swap3A_72 : vector<1x16xi32> to vector<16xi32>
      %swap3A_74 = vector.shape_cast %scan3A_67#4 : vector<16xi32> to vector<1x16xi32>
      tpu.vector_store %arg5[%swap3A_70, %swap3A_71], %swap3A_74 {strides = array<i32>} : memref<4x128xi32, #tpu.memory_space<vmem>>, vector<1x16xi32>,
      %swap3A_75 = arith.constant 1 : i32
      %swap3A_76 = arith.index_cast %swap3A_75 : i32 to index
      %swap3A_77 = arith.constant 16 : index
      %swap3A_78 = tpu.vector_load %arg5[%swap3A_76, %swap3A_77] {strides = array<i32>} : memref<4x128xi32, #tpu.memory_space<vmem>>, vector<1x16xi32>,
      %swap3A_79 = vector.shape_cast %swap3A_78 : vector<1x16xi32> to vector<16xi32>
      %swap3A_80 = vector.shape_cast %scan3A_67#5 : vector<16xi32> to vector<1x16xi32>
      tpu.vector_store %arg5[%swap3A_76, %swap3A_77], %swap3A_80 {strides = array<i32>} : memref<4x128xi32, #tpu.memory_space<vmem>>, vector<1x16xi32>,
      %swap3A_81 = arith.constant 2 : i32
      %swap3A_82 = arith.index_cast %swap3A_81 : i32 to index
      %swap3A_83 = arith.constant 16 : index
      %swap3A_84 = tpu.vector_load %arg5[%swap3A_82, %swap3A_83] {strides = array<i32>} : memref<4x128xi32, #tpu.memory_space<vmem>>, vector<1x16xi32>,
      %swap3A_85 = vector.shape_cast %swap3A_84 : vector<1x16xi32> to vector<16xi32>
      %swap3A_86 = vector.shape_cast %scan3A_67#6 : vector<16xi32> to vector<1x16xi32>
      tpu.vector_store %arg5[%swap3A_82, %swap3A_83], %swap3A_86 {strides = array<i32>} : memref<4x128xi32, #tpu.memory_space<vmem>>, vector<1x16xi32>,
      %swap3A_87 = arith.constant 3 : i32
      %swap3A_88 = arith.index_cast %swap3A_87 : i32 to index
      %swap3A_89 = arith.constant 16 : index
      %swap3A_90 = tpu.vector_load %arg5[%swap3A_88, %swap3A_89] {strides = array<i32>} : memref<4x128xi32, #tpu.memory_space<vmem>>, vector<1x16xi32>,
      %swap3A_91 = vector.shape_cast %swap3A_90 : vector<1x16xi32> to vector<16xi32>
      %swap3A_92 = vector.shape_cast %scan3A_67#7 : vector<16xi32> to vector<1x16xi32>
      tpu.vector_store %arg5[%swap3A_88, %swap3A_89], %swap3A_92 {strides = array<i32>} : memref<4x128xi32, #tpu.memory_space<vmem>>, vector<1x16xi32>,
      %scan3A_93 = arith.constant 0 : i32
      %scan3A_94 = arith.constant 256 : i32
      %scan3A_95 = arith.addi %scan3A_93, %scan3A_94 : i32
      %scan3A_96 = arith.constant 1 : i32
      %scan3A_97:8 = scf.for %scan3A_275 = %scan3A_93 to %scan3A_95 step %scan3A_96 iter_args(%scan3A_276 = %broadcast_in_dim3A_31, %scan3A_277 = %broadcast_in_dim3A_31, %scan3A_278 = %broadcast_in_dim3A_31, %scan3A_279 = %broadcast_in_dim3A_31, %scan3A_280 = %broadcast_in_dim3A_33, %scan3A_281 = %broadcast_in_dim3A_33, %scan3A_282 = %broadcast_in_dim3A_33, %scan3A_283 = %broadcast_in_dim3A_33) -> (vector<16xf32>, vector<16xf32>, vector<16xf32>, vector<16xf32>, vector<16xi32>, vector<16xi32>, vector<16xi32>, vector<16xi32>)  : i32 {
        %get3A = arith.index_cast %scan3A_275 : i32 to index
        %get3A_284 = arith.constant 32 : index
        %get3A_285 = tpu.vector_load %arg4[%get3A, %get3A_284] {strides = array<i32>} : memref<256x128xf32, #tpu.memory_space<vmem>>, vector<1x16xf32>,
        %get3A_286 = vector.shape_cast %get3A_285 : vector<1x16xf32> to vector<16xf32>
        %broadcast_in_dim3A_287 = arith.constant 0 : i32
        %broadcast_in_dim3A_288 = vector.broadcast %broadcast_in_dim3A_287 : i32 to vector<16xi32>
        %add3A_289 = vector.broadcast %scan3A_275 : i32 to vector<16xi32>
        %add3A_290 = arith.addi %broadcast_in_dim3A_288, %add3A_289 : vector<16xi32>
        %gt3A = arith.cmpf ogt, %get3A_286, %scan3A_276 : vector<16xf32>
        %gt3A_291 = arith.cmpf ogt, %get3A_286, %scan3A_277 : vector<16xf32>
        %gt3A_292 = arith.cmpf ogt, %get3A_286, %scan3A_278 : vector<16xf32>
        %gt3A_293 = arith.cmpf ogt, %get3A_286, %scan3A_279 : vector<16xf32>
        %select_n3A_294 = arith.select %gt3A, %get3A_286, %scan3A_276 : vector<16xi1>, vector<16xf32>
        %select_n3A_295 = arith.select %gt3A, %add3A_290, %scan3A_280 : vector<16xi1>, vector<16xi32>
        %select_n3A_296 = arith.select %gt3A_291, %get3A_286, %scan3A_277 : vector<16xi1>, vector<16xf32>
        %select_n3A_297 = arith.select %gt3A, %scan3A_276, %select_n3A_296 : vector<16xi1>, vector<16xf32>
        %select_n3A_298 = arith.select %gt3A_291, %add3A_290, %scan3A_281 : vector<16xi1>, vector<16xi32>
        %select_n3A_299 = arith.select %gt3A, %scan3A_280, %select_n3A_298 : vector<16xi1>, vector<16xi32>
        %select_n3A_300 = arith.select %gt3A_292, %get3A_286, %scan3A_278 : vector<16xi1>, vector<16xf32>
        %select_n3A_301 = arith.select %gt3A_291, %scan3A_277, %select_n3A_300 : vector<16xi1>, vector<16xf32>
        %select_n3A_302 = arith.select %gt3A_292, %add3A_290, %scan3A_282 : vector<16xi1>, vector<16xi32>
        %select_n3A_303 = arith.select %gt3A_291, %scan3A_281, %select_n3A_302 : vector<16xi1>, vector<16xi32>
        %select_n3A_304 = arith.select %gt3A_293, %get3A_286, %scan3A_279 : vector<16xi1>, vector<16xf32>
        %select_n3A_305 = arith.select %gt3A_292, %scan3A_278, %select_n3A_304 : vector<16xi1>, vector<16xf32>
        %select_n3A_306 = arith.select %gt3A_293, %add3A_290, %scan3A_283 : vector<16xi1>, vector<16xi32>
        %select_n3A_307 = arith.select %gt3A_292, %scan3A_282, %select_n3A_306 : vector<16xi1>, vector<16xi32>
        scf.yield %select_n3A_294, %select_n3A_297, %select_n3A_301, %select_n3A_305, %select_n3A_295, %select_n3A_299, %select_n3A_303, %select_n3A_307 : vector<16xf32>, vector<16xf32>, vector<16xf32>, vector<16xf32>, vector<16xi32>, vector<16xi32>, vector<16xi32>, vector<16xi32>
      }
      %scan3A_98 = arith.constant 256 : i32
      %swap3A_99 = arith.constant 0 : i32
      %swap3A_100 = arith.index_cast %swap3A_99 : i32 to index
      %swap3A_101 = arith.constant 32 : index
      %swap3A_102 = tpu.vector_load %arg5[%swap3A_100, %swap3A_101] {strides = array<i32>} : memref<4x128xi32, #tpu.memory_space<vmem>>, vector<1x16xi32>,
      %swap3A_103 = vector.shape_cast %swap3A_102 : vector<1x16xi32> to vector<16xi32>
      %swap3A_104 = vector.shape_cast %scan3A_97#4 : vector<16xi32> to vector<1x16xi32>
      tpu.vector_store %arg5[%swap3A_100, %swap3A_101], %swap3A_104 {strides = array<i32>} : memref<4x128xi32, #tpu.memory_space<vmem>>, vector<1x16xi32>,
      %swap3A_105 = arith.constant 1 : i32
      %swap3A_106 = arith.index_cast %swap3A_105 : i32 to index
      %swap3A_107 = arith.constant 32 : index
      %swap3A_108 = tpu.vector_load %arg5[%swap3A_106, %swap3A_107] {strides = array<i32>} : memref<4x128xi32, #tpu.memory_space<vmem>>, vector<1x16xi32>,
      %swap3A_109 = vector.shape_cast %swap3A_108 : vector<1x16xi32> to vector<16xi32>
      %swap3A_110 = vector.shape_cast %scan3A_97#5 : vector<16xi32> to vector<1x16xi32>
      tpu.vector_store %arg5[%swap3A_106, %swap3A_107], %swap3A_110 {strides = array<i32>} : memref<4x128xi32, #tpu.memory_space<vmem>>, vector<1x16xi32>,
      %swap3A_111 = arith.constant 2 : i32
      %swap3A_112 = arith.index_cast %swap3A_111 : i32 to index
      %swap3A_113 = arith.constant 32 : index
      %swap3A_114 = tpu.vector_load %arg5[%swap3A_112, %swap3A_113] {strides = array<i32>} : memref<4x128xi32, #tpu.memory_space<vmem>>, vector<1x16xi32>,
      %swap3A_115 = vector.shape_cast %swap3A_114 : vector<1x16xi32> to vector<16xi32>
      %swap3A_116 = vector.shape_cast %scan3A_97#6 : vector<16xi32> to vector<1x16xi32>
      tpu.vector_store %arg5[%swap3A_112, %swap3A_113], %swap3A_116 {strides = array<i32>} : memref<4x128xi32, #tpu.memory_space<vmem>>, vector<1x16xi32>,
      %swap3A_117 = arith.constant 3 : i32
      %swap3A_118 = arith.index_cast %swap3A_117 : i32 to index
      %swap3A_119 = arith.constant 32 : index
      %swap3A_120 = tpu.vector_load %arg5[%swap3A_118, %swap3A_119] {strides = array<i32>} : memref<4x128xi32, #tpu.memory_space<vmem>>, vector<1x16xi32>,
      %swap3A_121 = vector.shape_cast %swap3A_120 : vector<1x16xi32> to vector<16xi32>
      %swap3A_122 = vector.shape_cast %scan3A_97#7 : vector<16xi32> to vector<1x16xi32>
      tpu.vector_store %arg5[%swap3A_118, %swap3A_119], %swap3A_122 {strides = array<i32>} : memref<4x128xi32, #tpu.memory_space<vmem>>, vector<1x16xi32>,
      %scan3A_123 = arith.constant 0 : i32
      %scan3A_124 = arith.constant 256 : i32
      %scan3A_125 = arith.addi %scan3A_123, %scan3A_124 : i32
      %scan3A_126 = arith.constant 1 : i32
      %scan3A_127:8 = scf.for %scan3A_275 = %scan3A_123 to %scan3A_125 step %scan3A_126 iter_args(%scan3A_276 = %broadcast_in_dim3A_31, %scan3A_277 = %broadcast_in_dim3A_31, %scan3A_278 = %broadcast_in_dim3A_31, %scan3A_279 = %broadcast_in_dim3A_31, %scan3A_280 = %broadcast_in_dim3A_33, %scan3A_281 = %broadcast_in_dim3A_33, %scan3A_282 = %broadcast_in_dim3A_33, %scan3A_283 = %broadcast_in_dim3A_33) -> (vector<16xf32>, vector<16xf32>, vector<16xf32>, vector<16xf32>, vector<16xi32>, vector<16xi32>, vector<16xi32>, vector<16xi32>)  : i32 {
        %get3A = arith.index_cast %scan3A_275 : i32 to index
        %get3A_284 = arith.constant 48 : index
        %get3A_285 = tpu.vector_load %arg4[%get3A, %get3A_284] {strides = array<i32>} : memref<256x128xf32, #tpu.memory_space<vmem>>, vector<1x16xf32>,
        %get3A_286 = vector.shape_cast %get3A_285 : vector<1x16xf32> to vector<16xf32>
        %broadcast_in_dim3A_287 = arith.constant 0 : i32
        %broadcast_in_dim3A_288 = vector.broadcast %broadcast_in_dim3A_287 : i32 to vector<16xi32>
        %add3A_289 = vector.broadcast %scan3A_275 : i32 to vector<16xi32>
        %add3A_290 = arith.addi %broadcast_in_dim3A_288, %add3A_289 : vector<16xi32>
        %gt3A = arith.cmpf ogt, %get3A_286, %scan3A_276 : vector<16xf32>
        %gt3A_291 = arith.cmpf ogt, %get3A_286, %scan3A_277 : vector<16xf32>
        %gt3A_292 = arith.cmpf ogt, %get3A_286, %scan3A_278 : vector<16xf32>
        %gt3A_293 = arith.cmpf ogt, %get3A_286, %scan3A_279 : vector<16xf32>
        %select_n3A_294 = arith.select %gt3A, %get3A_286, %scan3A_276 : vector<16xi1>, vector<16xf32>
        %select_n3A_295 = arith.select %gt3A, %add3A_290, %scan3A_280 : vector<16xi1>, vector<16xi32>
        %select_n3A_296 = arith.select %gt3A_291, %get3A_286, %scan3A_277 : vector<16xi1>, vector<16xf32>
        %select_n3A_297 = arith.select %gt3A, %scan3A_276, %select_n3A_296 : vector<16xi1>, vector<16xf32>
        %select_n3A_298 = arith.select %gt3A_291, %add3A_290, %scan3A_281 : vector<16xi1>, vector<16xi32>
        %select_n3A_299 = arith.select %gt3A, %scan3A_280, %select_n3A_298 : vector<16xi1>, vector<16xi32>
        %select_n3A_300 = arith.select %gt3A_292, %get3A_286, %scan3A_278 : vector<16xi1>, vector<16xf32>
        %select_n3A_301 = arith.select %gt3A_291, %scan3A_277, %select_n3A_300 : vector<16xi1>, vector<16xf32>
        %select_n3A_302 = arith.select %gt3A_292, %add3A_290, %scan3A_282 : vector<16xi1>, vector<16xi32>
        %select_n3A_303 = arith.select %gt3A_291, %scan3A_281, %select_n3A_302 : vector<16xi1>, vector<16xi32>
        %select_n3A_304 = arith.select %gt3A_293, %get3A_286, %scan3A_279 : vector<16xi1>, vector<16xf32>
        %select_n3A_305 = arith.select %gt3A_292, %scan3A_278, %select_n3A_304 : vector<16xi1>, vector<16xf32>
        %select_n3A_306 = arith.select %gt3A_293, %add3A_290, %scan3A_283 : vector<16xi1>, vector<16xi32>
        %select_n3A_307 = arith.select %gt3A_292, %scan3A_282, %select_n3A_306 : vector<16xi1>, vector<16xi32>
        scf.yield %select_n3A_294, %select_n3A_297, %select_n3A_301, %select_n3A_305, %select_n3A_295, %select_n3A_299, %select_n3A_303, %select_n3A_307 : vector<16xf32>, vector<16xf32>, vector<16xf32>, vector<16xf32>, vector<16xi32>, vector<16xi32>, vector<16xi32>, vector<16xi32>
      }
      %scan3A_128 = arith.constant 256 : i32
      %swap3A_129 = arith.constant 0 : i32
      %swap3A_130 = arith.index_cast %swap3A_129 : i32 to index
      %swap3A_131 = arith.constant 48 : index
      %swap3A_132 = tpu.vector_load %arg5[%swap3A_130, %swap3A_131] {strides = array<i32>} : memref<4x128xi32, #tpu.memory_space<vmem>>, vector<1x16xi32>,
      %swap3A_133 = vector.shape_cast %swap3A_132 : vector<1x16xi32> to vector<16xi32>
      %swap3A_134 = vector.shape_cast %scan3A_127#4 : vector<16xi32> to vector<1x16xi32>
      tpu.vector_store %arg5[%swap3A_130, %swap3A_131], %swap3A_134 {strides = array<i32>} : memref<4x128xi32, #tpu.memory_space<vmem>>, vector<1x16xi32>,
      %swap3A_135 = arith.constant 1 : i32
      %swap3A_136 = arith.index_cast %swap3A_135 : i32 to index
      %swap3A_137 = arith.constant 48 : index
      %swap3A_138 = tpu.vector_load %arg5[%swap3A_136, %swap3A_137] {strides = array<i32>} : memref<4x128xi32, #tpu.memory_space<vmem>>, vector<1x16xi32>,
      %swap3A_139 = vector.shape_cast %swap3A_138 : vector<1x16xi32> to vector<16xi32>
      %swap3A_140 = vector.shape_cast %scan3A_127#5 : vector<16xi32> to vector<1x16xi32>
      tpu.vector_store %arg5[%swap3A_136, %swap3A_137], %swap3A_140 {strides = array<i32>} : memref<4x128xi32, #tpu.memory_space<vmem>>, vector<1x16xi32>,
      %swap3A_141 = arith.constant 2 : i32
      %swap3A_142 = arith.index_cast %swap3A_141 : i32 to index
      %swap3A_143 = arith.constant 48 : index
      %swap3A_144 = tpu.vector_load %arg5[%swap3A_142, %swap3A_143] {strides = array<i32>} : memref<4x128xi32, #tpu.memory_space<vmem>>, vector<1x16xi32>,
      %swap3A_145 = vector.shape_cast %swap3A_144 : vector<1x16xi32> to vector<16xi32>
      %swap3A_146 = vector.shape_cast %scan3A_127#6 : vector<16xi32> to vector<1x16xi32>
      tpu.vector_store %arg5[%swap3A_142, %swap3A_143], %swap3A_146 {strides = array<i32>} : memref<4x128xi32, #tpu.memory_space<vmem>>, vector<1x16xi32>,
      %swap3A_147 = arith.constant 3 : i32
      %swap3A_148 = arith.index_cast %swap3A_147 : i32 to index
      %swap3A_149 = arith.constant 48 : index
      %swap3A_150 = tpu.vector_load %arg5[%swap3A_148, %swap3A_149] {strides = array<i32>} : memref<4x128xi32, #tpu.memory_space<vmem>>, vector<1x16xi32>,
      %swap3A_151 = vector.shape_cast %swap3A_150 : vector<1x16xi32> to vector<16xi32>
      %swap3A_152 = vector.shape_cast %scan3A_127#7 : vector<16xi32> to vector<1x16xi32>
      tpu.vector_store %arg5[%swap3A_148, %swap3A_149], %swap3A_152 {strides = array<i32>} : memref<4x128xi32, #tpu.memory_space<vmem>>, vector<1x16xi32>,
      %scan3A_153 = arith.constant 0 : i32
      %scan3A_154 = arith.constant 256 : i32
      %scan3A_155 = arith.addi %scan3A_153, %scan3A_154 : i32
      %scan3A_156 = arith.constant 1 : i32
      %scan3A_157:8 = scf.for %scan3A_275 = %scan3A_153 to %scan3A_155 step %scan3A_156 iter_args(%scan3A_276 = %broadcast_in_dim3A_31, %scan3A_277 = %broadcast_in_dim3A_31, %scan3A_278 = %broadcast_in_dim3A_31, %scan3A_279 = %broadcast_in_dim3A_31, %scan3A_280 = %broadcast_in_dim3A_33, %scan3A_281 = %broadcast_in_dim3A_33, %scan3A_282 = %broadcast_in_dim3A_33, %scan3A_283 = %broadcast_in_dim3A_33) -> (vector<16xf32>, vector<16xf32>, vector<16xf32>, vector<16xf32>, vector<16xi32>, vector<16xi32>, vector<16xi32>, vector<16xi32>)  : i32 {
        %get3A = arith.index_cast %scan3A_275 : i32 to index
        %get3A_284 = arith.constant 64 : index
        %get3A_285 = tpu.vector_load %arg4[%get3A, %get3A_284] {strides = array<i32>} : memref<256x128xf32, #tpu.memory_space<vmem>>, vector<1x16xf32>,
        %get3A_286 = vector.shape_cast %get3A_285 : vector<1x16xf32> to vector<16xf32>
        %broadcast_in_dim3A_287 = arith.constant 0 : i32
        %broadcast_in_dim3A_288 = vector.broadcast %broadcast_in_dim3A_287 : i32 to vector<16xi32>
        %add3A_289 = vector.broadcast %scan3A_275 : i32 to vector<16xi32>
        %add3A_290 = arith.addi %broadcast_in_dim3A_288, %add3A_289 : vector<16xi32>
        %gt3A = arith.cmpf ogt, %get3A_286, %scan3A_276 : vector<16xf32>
        %gt3A_291 = arith.cmpf ogt, %get3A_286, %scan3A_277 : vector<16xf32>
        %gt3A_292 = arith.cmpf ogt, %get3A_286, %scan3A_278 : vector<16xf32>
        %gt3A_293 = arith.cmpf ogt, %get3A_286, %scan3A_279 : vector<16xf32>
        %select_n3A_294 = arith.select %gt3A, %get3A_286, %scan3A_276 : vector<16xi1>, vector<16xf32>
        %select_n3A_295 = arith.select %gt3A, %add3A_290, %scan3A_280 : vector<16xi1>, vector<16xi32>
        %select_n3A_296 = arith.select %gt3A_291, %get3A_286, %scan3A_277 : vector<16xi1>, vector<16xf32>
        %select_n3A_297 = arith.select %gt3A, %scan3A_276, %select_n3A_296 : vector<16xi1>, vector<16xf32>
        %select_n3A_298 = arith.select %gt3A_291, %add3A_290, %scan3A_281 : vector<16xi1>, vector<16xi32>
        %select_n3A_299 = arith.select %gt3A, %scan3A_280, %select_n3A_298 : vector<16xi1>, vector<16xi32>
        %select_n3A_300 = arith.select %gt3A_292, %get3A_286, %scan3A_278 : vector<16xi1>, vector<16xf32>
        %select_n3A_301 = arith.select %gt3A_291, %scan3A_277, %select_n3A_300 : vector<16xi1>, vector<16xf32>
        %select_n3A_302 = arith.select %gt3A_292, %add3A_290, %scan3A_282 : vector<16xi1>, vector<16xi32>
        %select_n3A_303 = arith.select %gt3A_291, %scan3A_281, %select_n3A_302 : vector<16xi1>, vector<16xi32>
        %select_n3A_304 = arith.select %gt3A_293, %get3A_286, %scan3A_279 : vector<16xi1>, vector<16xf32>
        %select_n3A_305 = arith.select %gt3A_292, %scan3A_278, %select_n3A_304 : vector<16xi1>, vector<16xf32>
        %select_n3A_306 = arith.select %gt3A_293, %add3A_290, %scan3A_283 : vector<16xi1>, vector<16xi32>
        %select_n3A_307 = arith.select %gt3A_292, %scan3A_282, %select_n3A_306 : vector<16xi1>, vector<16xi32>
        scf.yield %select_n3A_294, %select_n3A_297, %select_n3A_301, %select_n3A_305, %select_n3A_295, %select_n3A_299, %select_n3A_303, %select_n3A_307 : vector<16xf32>, vector<16xf32>, vector<16xf32>, vector<16xf32>, vector<16xi32>, vector<16xi32>, vector<16xi32>, vector<16xi32>
      }
      %scan3A_158 = arith.constant 256 : i32
      %swap3A_159 = arith.constant 0 : i32
      %swap3A_160 = arith.index_cast %swap3A_159 : i32 to index
      %swap3A_161 = arith.constant 64 : index
      %swap3A_162 = tpu.vector_load %arg5[%swap3A_160, %swap3A_161] {strides = array<i32>} : memref<4x128xi32, #tpu.memory_space<vmem>>, vector<1x16xi32>,
      %swap3A_163 = vector.shape_cast %swap3A_162 : vector<1x16xi32> to vector<16xi32>
      %swap3A_164 = vector.shape_cast %scan3A_157#4 : vector<16xi32> to vector<1x16xi32>
      tpu.vector_store %arg5[%swap3A_160, %swap3A_161], %swap3A_164 {strides = array<i32>} : memref<4x128xi32, #tpu.memory_space<vmem>>, vector<1x16xi32>,
      %swap3A_165 = arith.constant 1 : i32
      %swap3A_166 = arith.index_cast %swap3A_165 : i32 to index
      %swap3A_167 = arith.constant 64 : index
      %swap3A_168 = tpu.vector_load %arg5[%swap3A_166, %swap3A_167] {strides = array<i32>} : memref<4x128xi32, #tpu.memory_space<vmem>>, vector<1x16xi32>,
      %swap3A_169 = vector.shape_cast %swap3A_168 : vector<1x16xi32> to vector<16xi32>
      %swap3A_170 = vector.shape_cast %scan3A_157#5 : vector<16xi32> to vector<1x16xi32>
      tpu.vector_store %arg5[%swap3A_166, %swap3A_167], %swap3A_170 {strides = array<i32>} : memref<4x128xi32, #tpu.memory_space<vmem>>, vector<1x16xi32>,
      %swap3A_171 = arith.constant 2 : i32
      %swap3A_172 = arith.index_cast %swap3A_171 : i32 to index
      %swap3A_173 = arith.constant 64 : index
      %swap3A_174 = tpu.vector_load %arg5[%swap3A_172, %swap3A_173] {strides = array<i32>} : memref<4x128xi32, #tpu.memory_space<vmem>>, vector<1x16xi32>,
      %swap3A_175 = vector.shape_cast %swap3A_174 : vector<1x16xi32> to vector<16xi32>
      %swap3A_176 = vector.shape_cast %scan3A_157#6 : vector<16xi32> to vector<1x16xi32>
      tpu.vector_store %arg5[%swap3A_172, %swap3A_173], %swap3A_176 {strides = array<i32>} : memref<4x128xi32, #tpu.memory_space<vmem>>, vector<1x16xi32>,
      %swap3A_177 = arith.constant 3 : i32
      %swap3A_178 = arith.index_cast %swap3A_177 : i32 to index
      %swap3A_179 = arith.constant 64 : index
      %swap3A_180 = tpu.vector_load %arg5[%swap3A_178, %swap3A_179] {strides = array<i32>} : memref<4x128xi32, #tpu.memory_space<vmem>>, vector<1x16xi32>,
      %swap3A_181 = vector.shape_cast %swap3A_180 : vector<1x16xi32> to vector<16xi32>
      %swap3A_182 = vector.shape_cast %scan3A_157#7 : vector<16xi32> to vector<1x16xi32>
      tpu.vector_store %arg5[%swap3A_178, %swap3A_179], %swap3A_182 {strides = array<i32>} : memref<4x128xi32, #tpu.memory_space<vmem>>, vector<1x16xi32>,
      %scan3A_183 = arith.constant 0 : i32
      %scan3A_184 = arith.constant 256 : i32
      %scan3A_185 = arith.addi %scan3A_183, %scan3A_184 : i32
      %scan3A_186 = arith.constant 1 : i32
      %scan3A_187:8 = scf.for %scan3A_275 = %scan3A_183 to %scan3A_185 step %scan3A_186 iter_args(%scan3A_276 = %broadcast_in_dim3A_31, %scan3A_277 = %broadcast_in_dim3A_31, %scan3A_278 = %broadcast_in_dim3A_31, %scan3A_279 = %broadcast_in_dim3A_31, %scan3A_280 = %broadcast_in_dim3A_33, %scan3A_281 = %broadcast_in_dim3A_33, %scan3A_282 = %broadcast_in_dim3A_33, %scan3A_283 = %broadcast_in_dim3A_33) -> (vector<16xf32>, vector<16xf32>, vector<16xf32>, vector<16xf32>, vector<16xi32>, vector<16xi32>, vector<16xi32>, vector<16xi32>)  : i32 {
        %get3A = arith.index_cast %scan3A_275 : i32 to index
        %get3A_284 = arith.constant 80 : index
        %get3A_285 = tpu.vector_load %arg4[%get3A, %get3A_284] {strides = array<i32>} : memref<256x128xf32, #tpu.memory_space<vmem>>, vector<1x16xf32>,
        %get3A_286 = vector.shape_cast %get3A_285 : vector<1x16xf32> to vector<16xf32>
        %broadcast_in_dim3A_287 = arith.constant 0 : i32
        %broadcast_in_dim3A_288 = vector.broadcast %broadcast_in_dim3A_287 : i32 to vector<16xi32>
        %add3A_289 = vector.broadcast %scan3A_275 : i32 to vector<16xi32>
        %add3A_290 = arith.addi %broadcast_in_dim3A_288, %add3A_289 : vector<16xi32>
        %gt3A = arith.cmpf ogt, %get3A_286, %scan3A_276 : vector<16xf32>
        %gt3A_291 = arith.cmpf ogt, %get3A_286, %scan3A_277 : vector<16xf32>
        %gt3A_292 = arith.cmpf ogt, %get3A_286, %scan3A_278 : vector<16xf32>
        %gt3A_293 = arith.cmpf ogt, %get3A_286, %scan3A_279 : vector<16xf32>
        %select_n3A_294 = arith.select %gt3A, %get3A_286, %scan3A_276 : vector<16xi1>, vector<16xf32>
        %select_n3A_295 = arith.select %gt3A, %add3A_290, %scan3A_280 : vector<16xi1>, vector<16xi32>
        %select_n3A_296 = arith.select %gt3A_291, %get3A_286, %scan3A_277 : vector<16xi1>, vector<16xf32>
        %select_n3A_297 = arith.select %gt3A, %scan3A_276, %select_n3A_296 : vector<16xi1>, vector<16xf32>
        %select_n3A_298 = arith.select %gt3A_291, %add3A_290, %scan3A_281 : vector<16xi1>, vector<16xi32>
        %select_n3A_299 = arith.select %gt3A, %scan3A_280, %select_n3A_298 : vector<16xi1>, vector<16xi32>
        %select_n3A_300 = arith.select %gt3A_292, %get3A_286, %scan3A_278 : vector<16xi1>, vector<16xf32>
        %select_n3A_301 = arith.select %gt3A_291, %scan3A_277, %select_n3A_300 : vector<16xi1>, vector<16xf32>
        %select_n3A_302 = arith.select %gt3A_292, %add3A_290, %scan3A_282 : vector<16xi1>, vector<16xi32>
        %select_n3A_303 = arith.select %gt3A_291, %scan3A_281, %select_n3A_302 : vector<16xi1>, vector<16xi32>
        %select_n3A_304 = arith.select %gt3A_293, %get3A_286, %scan3A_279 : vector<16xi1>, vector<16xf32>
        %select_n3A_305 = arith.select %gt3A_292, %scan3A_278, %select_n3A_304 : vector<16xi1>, vector<16xf32>
        %select_n3A_306 = arith.select %gt3A_293, %add3A_290, %scan3A_283 : vector<16xi1>, vector<16xi32>
        %select_n3A_307 = arith.select %gt3A_292, %scan3A_282, %select_n3A_306 : vector<16xi1>, vector<16xi32>
        scf.yield %select_n3A_294, %select_n3A_297, %select_n3A_301, %select_n3A_305, %select_n3A_295, %select_n3A_299, %select_n3A_303, %select_n3A_307 : vector<16xf32>, vector<16xf32>, vector<16xf32>, vector<16xf32>, vector<16xi32>, vector<16xi32>, vector<16xi32>, vector<16xi32>
      }
      %scan3A_188 = arith.constant 256 : i32
      %swap3A_189 = arith.constant 0 : i32
      %swap3A_190 = arith.index_cast %swap3A_189 : i32 to index
      %swap3A_191 = arith.constant 80 : index
      %swap3A_192 = tpu.vector_load %arg5[%swap3A_190, %swap3A_191] {strides = array<i32>} : memref<4x128xi32, #tpu.memory_space<vmem>>, vector<1x16xi32>,
      %swap3A_193 = vector.shape_cast %swap3A_192 : vector<1x16xi32> to vector<16xi32>
      %swap3A_194 = vector.shape_cast %scan3A_187#4 : vector<16xi32> to vector<1x16xi32>
      tpu.vector_store %arg5[%swap3A_190, %swap3A_191], %swap3A_194 {strides = array<i32>} : memref<4x128xi32, #tpu.memory_space<vmem>>, vector<1x16xi32>,
      %swap3A_195 = arith.constant 1 : i32
      %swap3A_196 = arith.index_cast %swap3A_195 : i32 to index
      %swap3A_197 = arith.constant 80 : index
      %swap3A_198 = tpu.vector_load %arg5[%swap3A_196, %swap3A_197] {strides = array<i32>} : memref<4x128xi32, #tpu.memory_space<vmem>>, vector<1x16xi32>,
      %swap3A_199 = vector.shape_cast %swap3A_198 : vector<1x16xi32> to vector<16xi32>
      %swap3A_200 = vector.shape_cast %scan3A_187#5 : vector<16xi32> to vector<1x16xi32>
      tpu.vector_store %arg5[%swap3A_196, %swap3A_197], %swap3A_200 {strides = array<i32>} : memref<4x128xi32, #tpu.memory_space<vmem>>, vector<1x16xi32>,
      %swap3A_201 = arith.constant 2 : i32
      %swap3A_202 = arith.index_cast %swap3A_201 : i32 to index
      %swap3A_203 = arith.constant 80 : index
      %swap3A_204 = tpu.vector_load %arg5[%swap3A_202, %swap3A_203] {strides = array<i32>} : memref<4x128xi32, #tpu.memory_space<vmem>>, vector<1x16xi32>,
      %swap3A_205 = vector.shape_cast %swap3A_204 : vector<1x16xi32> to vector<16xi32>
      %swap3A_206 = vector.shape_cast %scan3A_187#6 : vector<16xi32> to vector<1x16xi32>
      tpu.vector_store %arg5[%swap3A_202, %swap3A_203], %swap3A_206 {strides = array<i32>} : memref<4x128xi32, #tpu.memory_space<vmem>>, vector<1x16xi32>,
      %swap3A_207 = arith.constant 3 : i32
      %swap3A_208 = arith.index_cast %swap3A_207 : i32 to index
      %swap3A_209 = arith.constant 80 : index
      %swap3A_210 = tpu.vector_load %arg5[%swap3A_208, %swap3A_209] {strides = array<i32>} : memref<4x128xi32, #tpu.memory_space<vmem>>, vector<1x16xi32>,
      %swap3A_211 = vector.shape_cast %swap3A_210 : vector<1x16xi32> to vector<16xi32>
      %swap3A_212 = vector.shape_cast %scan3A_187#7 : vector<16xi32> to vector<1x16xi32>
      tpu.vector_store %arg5[%swap3A_208, %swap3A_209], %swap3A_212 {strides = array<i32>} : memref<4x128xi32, #tpu.memory_space<vmem>>, vector<1x16xi32>,
      %scan3A_213 = arith.constant 0 : i32
      %scan3A_214 = arith.constant 256 : i32
      %scan3A_215 = arith.addi %scan3A_213, %scan3A_214 : i32
      %scan3A_216 = arith.constant 1 : i32
      %scan3A_217:8 = scf.for %scan3A_275 = %scan3A_213 to %scan3A_215 step %scan3A_216 iter_args(%scan3A_276 = %broadcast_in_dim3A_31, %scan3A_277 = %broadcast_in_dim3A_31, %scan3A_278 = %broadcast_in_dim3A_31, %scan3A_279 = %broadcast_in_dim3A_31, %scan3A_280 = %broadcast_in_dim3A_33, %scan3A_281 = %broadcast_in_dim3A_33, %scan3A_282 = %broadcast_in_dim3A_33, %scan3A_283 = %broadcast_in_dim3A_33) -> (vector<16xf32>, vector<16xf32>, vector<16xf32>, vector<16xf32>, vector<16xi32>, vector<16xi32>, vector<16xi32>, vector<16xi32>)  : i32 {
        %get3A = arith.index_cast %scan3A_275 : i32 to index
        %get3A_284 = arith.constant 96 : index
        %get3A_285 = tpu.vector_load %arg4[%get3A, %get3A_284] {strides = array<i32>} : memref<256x128xf32, #tpu.memory_space<vmem>>, vector<1x16xf32>,
        %get3A_286 = vector.shape_cast %get3A_285 : vector<1x16xf32> to vector<16xf32>
        %broadcast_in_dim3A_287 = arith.constant 0 : i32
        %broadcast_in_dim3A_288 = vector.broadcast %broadcast_in_dim3A_287 : i32 to vector<16xi32>
        %add3A_289 = vector.broadcast %scan3A_275 : i32 to vector<16xi32>
        %add3A_290 = arith.addi %broadcast_in_dim3A_288, %add3A_289 : vector<16xi32>
        %gt3A = arith.cmpf ogt, %get3A_286, %scan3A_276 : vector<16xf32>
        %gt3A_291 = arith.cmpf ogt, %get3A_286, %scan3A_277 : vector<16xf32>
        %gt3A_292 = arith.cmpf ogt, %get3A_286, %scan3A_278 : vector<16xf32>
        %gt3A_293 = arith.cmpf ogt, %get3A_286, %scan3A_279 : vector<16xf32>
        %select_n3A_294 = arith.select %gt3A, %get3A_286, %scan3A_276 : vector<16xi1>, vector<16xf32>
        %select_n3A_295 = arith.select %gt3A, %add3A_290, %scan3A_280 : vector<16xi1>, vector<16xi32>
        %select_n3A_296 = arith.select %gt3A_291, %get3A_286, %scan3A_277 : vector<16xi1>, vector<16xf32>
        %select_n3A_297 = arith.select %gt3A, %scan3A_276, %select_n3A_296 : vector<16xi1>, vector<16xf32>
        %select_n3A_298 = arith.select %gt3A_291, %add3A_290, %scan3A_281 : vector<16xi1>, vector<16xi32>
        %select_n3A_299 = arith.select %gt3A, %scan3A_280, %select_n3A_298 : vector<16xi1>, vector<16xi32>
        %select_n3A_300 = arith.select %gt3A_292, %get3A_286, %scan3A_278 : vector<16xi1>, vector<16xf32>
        %select_n3A_301 = arith.select %gt3A_291, %scan3A_277, %select_n3A_300 : vector<16xi1>, vector<16xf32>
        %select_n3A_302 = arith.select %gt3A_292, %add3A_290, %scan3A_282 : vector<16xi1>, vector<16xi32>
        %select_n3A_303 = arith.select %gt3A_291, %scan3A_281, %select_n3A_302 : vector<16xi1>, vector<16xi32>
        %select_n3A_304 = arith.select %gt3A_293, %get3A_286, %scan3A_279 : vector<16xi1>, vector<16xf32>
        %select_n3A_305 = arith.select %gt3A_292, %scan3A_278, %select_n3A_304 : vector<16xi1>, vector<16xf32>
        %select_n3A_306 = arith.select %gt3A_293, %add3A_290, %scan3A_283 : vector<16xi1>, vector<16xi32>
        %select_n3A_307 = arith.select %gt3A_292, %scan3A_282, %select_n3A_306 : vector<16xi1>, vector<16xi32>
        scf.yield %select_n3A_294, %select_n3A_297, %select_n3A_301, %select_n3A_305, %select_n3A_295, %select_n3A_299, %select_n3A_303, %select_n3A_307 : vector<16xf32>, vector<16xf32>, vector<16xf32>, vector<16xf32>, vector<16xi32>, vector<16xi32>, vector<16xi32>, vector<16xi32>
      }
      %scan3A_218 = arith.constant 256 : i32
      %swap3A_219 = arith.constant 0 : i32
      %swap3A_220 = arith.index_cast %swap3A_219 : i32 to index
      %swap3A_221 = arith.constant 96 : index
      %swap3A_222 = tpu.vector_load %arg5[%swap3A_220, %swap3A_221] {strides = array<i32>} : memref<4x128xi32, #tpu.memory_space<vmem>>, vector<1x16xi32>,
      %swap3A_223 = vector.shape_cast %swap3A_222 : vector<1x16xi32> to vector<16xi32>
      %swap3A_224 = vector.shape_cast %scan3A_217#4 : vector<16xi32> to vector<1x16xi32>
      tpu.vector_store %arg5[%swap3A_220, %swap3A_221], %swap3A_224 {strides = array<i32>} : memref<4x128xi32, #tpu.memory_space<vmem>>, vector<1x16xi32>,
      %swap3A_225 = arith.constant 1 : i32
      %swap3A_226 = arith.index_cast %swap3A_225 : i32 to index
      %swap3A_227 = arith.constant 96 : index
      %swap3A_228 = tpu.vector_load %arg5[%swap3A_226, %swap3A_227] {strides = array<i32>} : memref<4x128xi32, #tpu.memory_space<vmem>>, vector<1x16xi32>,
      %swap3A_229 = vector.shape_cast %swap3A_228 : vector<1x16xi32> to vector<16xi32>
      %swap3A_230 = vector.shape_cast %scan3A_217#5 : vector<16xi32> to vector<1x16xi32>
      tpu.vector_store %arg5[%swap3A_226, %swap3A_227], %swap3A_230 {strides = array<i32>} : memref<4x128xi32, #tpu.memory_space<vmem>>, vector<1x16xi32>,
      %swap3A_231 = arith.constant 2 : i32
      %swap3A_232 = arith.index_cast %swap3A_231 : i32 to index
      %swap3A_233 = arith.constant 96 : index
      %swap3A_234 = tpu.vector_load %arg5[%swap3A_232, %swap3A_233] {strides = array<i32>} : memref<4x128xi32, #tpu.memory_space<vmem>>, vector<1x16xi32>,
      %swap3A_235 = vector.shape_cast %swap3A_234 : vector<1x16xi32> to vector<16xi32>
      %swap3A_236 = vector.shape_cast %scan3A_217#6 : vector<16xi32> to vector<1x16xi32>
      tpu.vector_store %arg5[%swap3A_232, %swap3A_233], %swap3A_236 {strides = array<i32>} : memref<4x128xi32, #tpu.memory_space<vmem>>, vector<1x16xi32>,
      %swap3A_237 = arith.constant 3 : i32
      %swap3A_238 = arith.index_cast %swap3A_237 : i32 to index
      %swap3A_239 = arith.constant 96 : index
      %swap3A_240 = tpu.vector_load %arg5[%swap3A_238, %swap3A_239] {strides = array<i32>} : memref<4x128xi32, #tpu.memory_space<vmem>>, vector<1x16xi32>,
      %swap3A_241 = vector.shape_cast %swap3A_240 : vector<1x16xi32> to vector<16xi32>
      %swap3A_242 = vector.shape_cast %scan3A_217#7 : vector<16xi32> to vector<1x16xi32>
      tpu.vector_store %arg5[%swap3A_238, %swap3A_239], %swap3A_242 {strides = array<i32>} : memref<4x128xi32, #tpu.memory_space<vmem>>, vector<1x16xi32>,
      %scan3A_243 = arith.constant 0 : i32
      %scan3A_244 = arith.constant 256 : i32
      %scan3A_245 = arith.addi %scan3A_243, %scan3A_244 : i32
      %scan3A_246 = arith.constant 1 : i32
      %scan3A_247:8 = scf.for %scan3A_275 = %scan3A_243 to %scan3A_245 step %scan3A_246 iter_args(%scan3A_276 = %broadcast_in_dim3A_31, %scan3A_277 = %broadcast_in_dim3A_31, %scan3A_278 = %broadcast_in_dim3A_31, %scan3A_279 = %broadcast_in_dim3A_31, %scan3A_280 = %broadcast_in_dim3A_33, %scan3A_281 = %broadcast_in_dim3A_33, %scan3A_282 = %broadcast_in_dim3A_33, %scan3A_283 = %broadcast_in_dim3A_33) -> (vector<16xf32>, vector<16xf32>, vector<16xf32>, vector<16xf32>, vector<16xi32>, vector<16xi32>, vector<16xi32>, vector<16xi32>)  : i32 {
        %get3A = arith.index_cast %scan3A_275 : i32 to index
        %get3A_284 = arith.constant 112 : index
        %get3A_285 = tpu.vector_load %arg4[%get3A, %get3A_284] {strides = array<i32>} : memref<256x128xf32, #tpu.memory_space<vmem>>, vector<1x16xf32>,
        %get3A_286 = vector.shape_cast %get3A_285 : vector<1x16xf32> to vector<16xf32>
        %broadcast_in_dim3A_287 = arith.constant 0 : i32
        %broadcast_in_dim3A_288 = vector.broadcast %broadcast_in_dim3A_287 : i32 to vector<16xi32>
        %add3A_289 = vector.broadcast %scan3A_275 : i32 to vector<16xi32>
        %add3A_290 = arith.addi %broadcast_in_dim3A_288, %add3A_289 : vector<16xi32>
        %gt3A = arith.cmpf ogt, %get3A_286, %scan3A_276 : vector<16xf32>
        %gt3A_291 = arith.cmpf ogt, %get3A_286, %scan3A_277 : vector<16xf32>
        %gt3A_292 = arith.cmpf ogt, %get3A_286, %scan3A_278 : vector<16xf32>
        %gt3A_293 = arith.cmpf ogt, %get3A_286, %scan3A_279 : vector<16xf32>
        %select_n3A_294 = arith.select %gt3A, %get3A_286, %scan3A_276 : vector<16xi1>, vector<16xf32>
        %select_n3A_295 = arith.select %gt3A, %add3A_290, %scan3A_280 : vector<16xi1>, vector<16xi32>
        %select_n3A_296 = arith.select %gt3A_291, %get3A_286, %scan3A_277 : vector<16xi1>, vector<16xf32>
        %select_n3A_297 = arith.select %gt3A, %scan3A_276, %select_n3A_296 : vector<16xi1>, vector<16xf32>
        %select_n3A_298 = arith.select %gt3A_291, %add3A_290, %scan3A_281 : vector<16xi1>, vector<16xi32>
        %select_n3A_299 = arith.select %gt3A, %scan3A_280, %select_n3A_298 : vector<16xi1>, vector<16xi32>
        %select_n3A_300 = arith.select %gt3A_292, %get3A_286, %scan3A_278 : vector<16xi1>, vector<16xf32>
        %select_n3A_301 = arith.select %gt3A_291, %scan3A_277, %select_n3A_300 : vector<16xi1>, vector<16xf32>
        %select_n3A_302 = arith.select %gt3A_292, %add3A_290, %scan3A_282 : vector<16xi1>, vector<16xi32>
        %select_n3A_303 = arith.select %gt3A_291, %scan3A_281, %select_n3A_302 : vector<16xi1>, vector<16xi32>
        %select_n3A_304 = arith.select %gt3A_293, %get3A_286, %scan3A_279 : vector<16xi1>, vector<16xf32>
        %select_n3A_305 = arith.select %gt3A_292, %scan3A_278, %select_n3A_304 : vector<16xi1>, vector<16xf32>
        %select_n3A_306 = arith.select %gt3A_293, %add3A_290, %scan3A_283 : vector<16xi1>, vector<16xi32>
        %select_n3A_307 = arith.select %gt3A_292, %scan3A_282, %select_n3A_306 : vector<16xi1>, vector<16xi32>
        scf.yield %select_n3A_294, %select_n3A_297, %select_n3A_301, %select_n3A_305, %select_n3A_295, %select_n3A_299, %select_n3A_303, %select_n3A_307 : vector<16xf32>, vector<16xf32>, vector<16xf32>, vector<16xf32>, vector<16xi32>, vector<16xi32>, vector<16xi32>, vector<16xi32>
      }
      %scan3A_248 = arith.constant 256 : i32
      %swap3A_249 = arith.constant 0 : i32
      %swap3A_250 = arith.index_cast %swap3A_249 : i32 to index
      %swap3A_251 = arith.constant 112 : index
      %swap3A_252 = tpu.vector_load %arg5[%swap3A_250, %swap3A_251] {strides = array<i32>} : memref<4x128xi32, #tpu.memory_space<vmem>>, vector<1x16xi32>,
      %swap3A_253 = vector.shape_cast %swap3A_252 : vector<1x16xi32> to vector<16xi32>
      %swap3A_254 = vector.shape_cast %scan3A_247#4 : vector<16xi32> to vector<1x16xi32>
      tpu.vector_store %arg5[%swap3A_250, %swap3A_251], %swap3A_254 {strides = array<i32>} : memref<4x128xi32, #tpu.memory_space<vmem>>, vector<1x16xi32>,
      %swap3A_255 = arith.constant 1 : i32
      %swap3A_256 = arith.index_cast %swap3A_255 : i32 to index
      %swap3A_257 = arith.constant 112 : index
      %swap3A_258 = tpu.vector_load %arg5[%swap3A_256, %swap3A_257] {strides = array<i32>} : memref<4x128xi32, #tpu.memory_space<vmem>>, vector<1x16xi32>,
      %swap3A_259 = vector.shape_cast %swap3A_258 : vector<1x16xi32> to vector<16xi32>
      %swap3A_260 = vector.shape_cast %scan3A_247#5 : vector<16xi32> to vector<1x16xi32>
      tpu.vector_store %arg5[%swap3A_256, %swap3A_257], %swap3A_260 {strides = array<i32>} : memref<4x128xi32, #tpu.memory_space<vmem>>, vector<1x16xi32>,
      %swap3A_261 = arith.constant 2 : i32
      %swap3A_262 = arith.index_cast %swap3A_261 : i32 to index
      %swap3A_263 = arith.constant 112 : index
      %swap3A_264 = tpu.vector_load %arg5[%swap3A_262, %swap3A_263] {strides = array<i32>} : memref<4x128xi32, #tpu.memory_space<vmem>>, vector<1x16xi32>,
      %swap3A_265 = vector.shape_cast %swap3A_264 : vector<1x16xi32> to vector<16xi32>
      %swap3A_266 = vector.shape_cast %scan3A_247#6 : vector<16xi32> to vector<1x16xi32>
      tpu.vector_store %arg5[%swap3A_262, %swap3A_263], %swap3A_266 {strides = array<i32>} : memref<4x128xi32, #tpu.memory_space<vmem>>, vector<1x16xi32>,
      %swap3A_267 = arith.constant 3 : i32
      %swap3A_268 = arith.index_cast %swap3A_267 : i32 to index
      %swap3A_269 = arith.constant 112 : index
      %swap3A_270 = tpu.vector_load %arg5[%swap3A_268, %swap3A_269] {strides = array<i32>} : memref<4x128xi32, #tpu.memory_space<vmem>>, vector<1x16xi32>,
      %swap3A_271 = vector.shape_cast %swap3A_270 : vector<1x16xi32> to vector<16xi32>
      %swap3A_272 = vector.shape_cast %scan3A_247#7 : vector<16xi32> to vector<1x16xi32>
      tpu.vector_store %arg5[%swap3A_268, %swap3A_269], %swap3A_272 {strides = array<i32>} : memref<4x128xi32, #tpu.memory_space<vmem>>, vector<1x16xi32>,
      %mul3A_273 = arith.constant 128 : i32
      %mul3A_274 = arith.muli %sub3A_28, %mul3A_273 : i32
      "tpu.region"() ({
        %run_scoped3A = tpu.sem_alloc : memref<!tpu.dma_semaphore, #tpu.memory_space<semaphore_mem>>
        %dma_start3A = arith.constant 0 : i32
        %dma_start3A_275 = tpu.memref_slice %arg3[%select_n3A, %dma_start3A, %mul3A_274] : memref<12x4x2048xi32, #tpu.memory_space<hbm>> -> memref<1x4x128xi32, #tpu.memory_space<hbm>>
        %dma_start3A_276 = tpu.memref_squeeze %dma_start3A_275 : memref<1x4x128xi32, #tpu.memory_space<hbm>> -> memref<4x128xi32, #tpu.memory_space<hbm>>
        %dma_start3A_277 = arith.constant 0 : i32
        %dma_start3A_278 = tpu.memref_slice %arg3[%select_n3A, %dma_start3A_277, %mul3A_274] : memref<12x4x2048xi32, #tpu.memory_space<hbm>> -> memref<1x4x128xi32, #tpu.memory_space<hbm>>
        %dma_start3A_279 = tpu.memref_squeeze %dma_start3A_278 : memref<1x4x128xi32, #tpu.memory_space<hbm>> -> memref<4x128xi32, #tpu.memory_space<hbm>>
        tpu.enqueue_dma source(%arg5 : memref<4x128xi32, #tpu.memory_space<vmem>>) target(%dma_start3A_279 : memref<4x128xi32, #tpu.memory_space<hbm>>) target_semaphore(%run_scoped3A : memref<!tpu.dma_semaphore, #tpu.memory_space<semaphore_mem>>)
        %dma_wait3A = arith.constant 0 : i32
        %dma_wait3A_280 = tpu.memref_slice %arg3[%select_n3A, %dma_wait3A, %mul3A_274] : memref<12x4x2048xi32, #tpu.memory_space<hbm>> -> memref<1x4x128xi32, #tpu.memory_space<hbm>>
        %dma_wait3A_281 = tpu.memref_squeeze %dma_wait3A_280 : memref<1x4x128xi32, #tpu.memory_space<hbm>> -> memref<4x128xi32, #tpu.memory_space<hbm>>
        %dma_wait3A_282 = arith.constant 0 : i32
        %dma_wait3A_283 = tpu.memref_slice %arg3[%select_n3A, %dma_wait3A_282, %mul3A_274] : memref<12x4x2048xi32, #tpu.memory_space<hbm>> -> memref<1x4x128xi32, #tpu.memory_space<hbm>>
        %dma_wait3A_284 = tpu.memref_squeeze %dma_wait3A_283 : memref<1x4x128xi32, #tpu.memory_space<hbm>> -> memref<4x128xi32, #tpu.memory_space<hbm>>
        tpu.wait_dma2 semaphore(%run_scoped3A : memref<!tpu.dma_semaphore, #tpu.memory_space<semaphore_mem>>) src(%arg5 : memref<4x128xi32, #tpu.memory_space<vmem>>) dst(%dma_wait3A_284 : memref<4x128xi32, #tpu.memory_space<hbm>>)
        tpu.yield
      }) : () -> ()
    }
    %scan3A_5 = arith.constant 6 : i32
    return
  }
}

module attributes {stable_mosaic.version = 14 : i64} {
  func.func @_qkv_kernel(%arg0: i32, %arg1: memref<256x768xf32, #tpu.memory_space<vmem>>, %arg2: memref<2304x768xf32, #tpu.memory_space<vmem>>, %arg3: memref<256x2304xf32, #tpu.memory_space<vmem>>) attributes {dimension_semantics = [#tpu.dimension_semantics<arbitrary>], iteration_bounds = array<i64: 8>, scalar_prefetch = 0 : i64, scratch_operands = 0 : i64, tpu.core_type = #tpu.core_type<tc>, window_params = [{transform_indices = @transform_0, window_bounds = array<i64: 256, 768>}, {pipeline_mode = #tpu.pipeline_mode<synchronous>, transform_indices = @transform_1, window_bounds = array<i64: 2304, 768>}, {transform_indices = @transform_2, window_bounds = array<i64: 256, 2304>}]} {
    %get3A = arith.constant 0 : index
    %get3A_0 = arith.constant 0 : index
    %get3A_1 = vector.load %arg1[%get3A, %get3A_0] : memref<256x768xf32, #tpu.memory_space<vmem>>, vector<256x768xf32>
    %get3A_2 = arith.constant 0 : index
    %get3A_3 = arith.constant 0 : index
    %get3A_4 = vector.load %arg2[%get3A_2, %get3A_3] : memref<2304x768xf32, #tpu.memory_space<vmem>>, vector<2304x768xf32>
    %convert_element_type3A = arith.truncf %get3A_1 : vector<256x768xf32> to vector<256x768xbf16>
    %convert_element_type3A_5 = arith.truncf %get3A_4 : vector<2304x768xf32> to vector<2304x768xbf16>
    %dot_general3A = arith.constant dense<0.000000e+00> : vector<256x2304xf32>
    %dot_general3A_6 = tpu.matmul %convert_element_type3A, %convert_element_type3A_5, %dot_general3A {dimension_numbers = #tpu.dot_dimension_numbers<[1], [1], [0], [0], [0, 0, 1, 0], [], []>, transpose_lhs_hint = false} : vector<256x768xbf16>, vector<2304x768xbf16>, vector<256x2304xf32> -> vector<256x2304xf32>
    %swap3A = arith.constant 0 : index
    %swap3A_7 = arith.constant 0 : index
    %swap3A_8 = vector.load %arg3[%swap3A, %swap3A_7] : memref<256x2304xf32, #tpu.memory_space<vmem>>, vector<256x2304xf32>
    tpu.vector_store %arg3[%swap3A, %swap3A_7], %dot_general3A_6 {strides = array<i32>} : memref<256x2304xf32, #tpu.memory_space<vmem>>, vector<256x2304xf32>,
    return
  }
  func.func @transform_0(%arg0: i32) -> (i32, i32) {
    %c0_i32 = arith.constant 0 : i32
    %c0_i32_0 = arith.constant 0 : i32
    return %arg0, %c0_i32 : i32, i32
  }
  func.func @transform_1(%arg0: i32) -> (i32, i32) {
    %c0_i32 = arith.constant 0 : i32
    %c0_i32_0 = arith.constant 0 : i32
    %c0_i32_1 = arith.constant 0 : i32
    return %c0_i32, %c0_i32_0 : i32, i32
  }
  func.func @transform_2(%arg0: i32) -> (i32, i32) {
    %c0_i32 = arith.constant 0 : i32
    %c0_i32_0 = arith.constant 0 : i32
    return %arg0, %c0_i32 : i32, i32
  }
}

module attributes {stable_mosaic.version = 14 : i64} {
  func.func @_attn_kernel(%arg0: i32, %arg1: i32, %arg2: memref<2048x128xf32, #tpu.memory_space<vmem>>, %arg3: memref<2048x128xf32, #tpu.memory_space<vmem>>, %arg4: memref<2048x128xf32, #tpu.memory_space<vmem>>, %arg5: memref<2x4x2048xi32, #tpu.memory_space<vmem>>, %arg6: memref<2048x256xbf16, #tpu.memory_space<vmem>>, %arg7: memref<768x128xf32, #tpu.memory_space<vmem>>, %arg8: memref<1x768xf32, #tpu.memory_space<vmem>>, %arg9: memref<2048x768xf32, #tpu.memory_space<vmem>>) attributes {dimension_semantics = [#tpu.dimension_semantics<arbitrary>, #tpu.dimension_semantics<arbitrary>], iteration_bounds = array<i64: 1, 6>, scalar_prefetch = 0 : i64, scratch_operands = 0 : i64, tpu.core_type = #tpu.core_type<tc>, window_params = [{transform_indices = @transform_0, window_bounds = array<i64: 2048, 128>}, {transform_indices = @transform_1, window_bounds = array<i64: 2048, 128>}, {transform_indices = @transform_2, window_bounds = array<i64: 2048, 128>}, {transform_indices = @transform_3, window_bounds = array<i64: 2, 4, 2048>}, {pipeline_mode = #tpu.pipeline_mode<synchronous>, transform_indices = @transform_4, window_bounds = array<i64: 2048, 256>}, {transform_indices = @transform_5, window_bounds = array<i64: 768, 128>}, {pipeline_mode = #tpu.pipeline_mode<synchronous>, transform_indices = @transform_6, window_bounds = array<i64: 1, 768>}, {transform_indices = @transform_7, window_bounds = array<i64: 2048, 768>}]} {
    %iota3A = tpu.iota {dimensions = array<i32: 0>} : vector<256x2048xi32>
    %get3A = arith.constant 0 : index
    %get3A_0 = arith.constant 0 : index
    %get3A_1 = vector.load %arg6[%get3A, %get3A_0] : memref<2048x256xbf16, #tpu.memory_space<vmem>>, vector<2048x256xbf16>
    %eq3A = arith.constant 0 : i32
    %eq3A_2 = arith.cmpi eq, %arg1, %eq3A : i32
    %convert_element_type3A = arith.extui %eq3A_2 : i1 to i32
    %cond3A = arith.constant 0 : i32
    %cond3A_3 = arith.cmpi ne, %convert_element_type3A, %cond3A : i32
    scf.if %cond3A_3 {
      %get3A_130 = arith.constant 0 : index
      %get3A_131 = arith.constant 0 : index
      %get3A_132 = vector.load %arg8[%get3A_130, %get3A_131] : memref<1x768xf32, #tpu.memory_space<vmem>>, vector<1x768xf32>
      %broadcast_in_dim3A_133 = vector.shape_cast %get3A_132 : vector<1x768xf32> to vector<1x768xf32>
      %broadcast_in_dim3A_134 = vector.broadcast %broadcast_in_dim3A_133 : vector<1x768xf32> to vector<2048x768xf32>
      %swap3A_135 = arith.constant 0 : index
      %swap3A_136 = arith.constant 0 : index
      %swap3A_137 = vector.load %arg9[%swap3A_135, %swap3A_136] : memref<2048x768xf32, #tpu.memory_space<vmem>>, vector<2048x768xf32>
      tpu.vector_store %arg9[%swap3A_135, %swap3A_136], %broadcast_in_dim3A_134 {strides = array<i32>} : memref<2048x768xf32, #tpu.memory_space<vmem>>, vector<2048x768xf32>,
    } else {
    }
    %get3A_4 = arith.constant 0 : index
    %get3A_5 = arith.constant 0 : index
    %get3A_6 = vector.load %arg2[%get3A_4, %get3A_5] : memref<2048x128xf32, #tpu.memory_space<vmem>>, vector<2048x64xf32>
    %get3A_7 = arith.constant 0 : index
    %get3A_8 = arith.constant 0 : index
    %get3A_9 = vector.load %arg3[%get3A_7, %get3A_8] : memref<2048x128xf32, #tpu.memory_space<vmem>>, vector<2048x64xf32>
    %get3A_10 = arith.constant 0 : index
    %get3A_11 = arith.constant 0 : index
    %get3A_12 = vector.load %arg4[%get3A_10, %get3A_11] : memref<2048x128xf32, #tpu.memory_space<vmem>>, vector<2048x64xf32>
    %get3A_13 = arith.constant 0 : index
    %get3A_14 = arith.constant 0 : index
    %get3A_15 = arith.constant 0 : index
    %get3A_16 = vector.load %arg5[%get3A_13, %get3A_14, %get3A_15] : memref<2x4x2048xi32, #tpu.memory_space<vmem>>, vector<1x4x2048xi32>
    %get3A_17 = vector.shape_cast %get3A_16 : vector<1x4x2048xi32> to vector<4x2048xi32>
    %slice3A = vector.extract_strided_slice %get3A_17 {offsets = [0, 0], sizes = [1, 2048], strides = [1, 1]} : vector<4x2048xi32> to vector<1x2048xi32>
    %eq3A_18 = vector.broadcast %slice3A : vector<1x2048xi32> to vector<256x2048xi32>
    %eq3A_19 = arith.cmpi eq, %iota3A, %eq3A_18 : vector<256x2048xi32>
    %slice3A_20 = vector.extract_strided_slice %get3A_17 {offsets = [1, 0], sizes = [1, 2048], strides = [1, 1]} : vector<4x2048xi32> to vector<1x2048xi32>
    %eq3A_21 = vector.broadcast %slice3A_20 : vector<1x2048xi32> to vector<256x2048xi32>
    %eq3A_22 = arith.cmpi eq, %iota3A, %eq3A_21 : vector<256x2048xi32>
    %or3A = arith.ori %eq3A_19, %eq3A_22 : vector<256x2048xi1>
    %slice3A_23 = vector.extract_strided_slice %get3A_17 {offsets = [2, 0], sizes = [1, 2048], strides = [1, 1]} : vector<4x2048xi32> to vector<1x2048xi32>
    %eq3A_24 = vector.broadcast %slice3A_23 : vector<1x2048xi32> to vector<256x2048xi32>
    %eq3A_25 = arith.cmpi eq, %iota3A, %eq3A_24 : vector<256x2048xi32>
    %or3A_26 = arith.ori %or3A, %eq3A_25 : vector<256x2048xi1>
    %slice3A_27 = vector.extract_strided_slice %get3A_17 {offsets = [3, 0], sizes = [1, 2048], strides = [1, 1]} : vector<4x2048xi32> to vector<1x2048xi32>
    %eq3A_28 = vector.broadcast %slice3A_27 : vector<1x2048xi32> to vector<256x2048xi32>
    %eq3A_29 = arith.cmpi eq, %iota3A, %eq3A_28 : vector<256x2048xi32>
    %or3A_30 = arith.ori %or3A_26, %eq3A_29 : vector<256x2048xi1>
    %jit3A = arith.constant 1.024000e+03 : f32
    %jit3A_31 = arith.constant 0.000000e+00 : f32
    %broadcast_in_dim3A = vector.broadcast %jit3A : f32 to vector<256x2048xf32>
    %broadcast_in_dim3A_32 = vector.broadcast %jit3A_31 : f32 to vector<256x2048xf32>
    %select_n3A = arith.select %or3A_30, %broadcast_in_dim3A, %broadcast_in_dim3A_32 : vector<256x2048xi1>, vector<256x2048xf32>
    %mul3A = arith.constant 1.250000e-01 : f32
    %mul3A_33 = vector.broadcast %mul3A : f32 to vector<2048x64xf32>
    %mul3A_34 = arith.mulf %get3A_6, %mul3A_33 : vector<2048x64xf32>
    %convert_element_type3A_35 = arith.truncf %mul3A_34 : vector<2048x64xf32> to vector<2048x64xbf16>
    %convert_element_type3A_36 = arith.truncf %get3A_9 : vector<2048x64xf32> to vector<2048x64xbf16>
    %dot_general3A = arith.constant dense<0.000000e+00> : vector<2048x2048xf32>
    %dot_general3A_37 = tpu.matmul %convert_element_type3A_35, %convert_element_type3A_36, %dot_general3A {dimension_numbers = #tpu.dot_dimension_numbers<[1], [1], [0], [0], [0, 0, 1, 0], [], []>, transpose_lhs_hint = false} : vector<2048x64xbf16>, vector<2048x64xbf16>, vector<2048x2048xf32> -> vector<2048x2048xf32>
    %convert_element_type3A_38 = arith.truncf %select_n3A : vector<256x2048xf32> to vector<256x2048xbf16>
    %dot_general3A_39 = arith.constant dense<0.000000e+00> : vector<2048x2048xf32>
    %dot_general3A_40 = tpu.matmul %convert_element_type3A_38, %get3A_1, %dot_general3A_39 {dimension_numbers = #tpu.dot_dimension_numbers<[0], [1], [1], [0], [0, 1, 1, 0], [], []>, transpose_lhs_hint = false} : vector<256x2048xbf16>, vector<2048x256xbf16>, vector<2048x2048xf32> -> vector<2048x2048xf32>
    %add3A = arith.addf %dot_general3A_37, %dot_general3A_40 : vector<2048x2048xf32>
    %reduce_max3A = arith.constant dense<0xFF800000> : vector<2048xf32>
    %reduce_max3A_41 = vector.multi_reduction <maximumf>, %add3A, %reduce_max3A [1] : vector<2048x2048xf32> to vector<2048xf32>
    %broadcast_in_dim3A_42 = vector.shape_cast %reduce_max3A_41 : vector<2048xf32> to vector<2048x1xf32>
    %sub3A = vector.broadcast %broadcast_in_dim3A_42 : vector<2048x1xf32> to vector<2048x2048xf32>
    %sub3A_43 = arith.subf %add3A, %sub3A : vector<2048x2048xf32>
    %exp3A = math.exp %sub3A_43 : vector<2048x2048xf32>
    %reduce_sum3A = arith.constant dense<0.000000e+00> : vector<2048xf32>
    %reduce_sum3A_44 = vector.multi_reduction <add>, %exp3A, %reduce_sum3A [1] : vector<2048x2048xf32> to vector<2048xf32>
    %broadcast_in_dim3A_45 = vector.shape_cast %reduce_sum3A_44 : vector<2048xf32> to vector<2048x1xf32>
    %div3A = arith.constant 1.000000e+00 : f32
    %div3A_46 = vector.broadcast %div3A : f32 to vector<2048x1xf32>
    %div3A_47 = arith.divf %div3A_46, %broadcast_in_dim3A_45 : vector<2048x1xf32>
    %mul3A_48 = vector.broadcast %div3A_47 : vector<2048x1xf32> to vector<2048x2048xf32>
    %mul3A_49 = arith.mulf %exp3A, %mul3A_48 : vector<2048x2048xf32>
    %convert_element_type3A_50 = arith.truncf %mul3A_49 : vector<2048x2048xf32> to vector<2048x2048xbf16>
    %convert_element_type3A_51 = arith.truncf %get3A_12 : vector<2048x64xf32> to vector<2048x64xbf16>
    %dot_general3A_52 = arith.constant dense<0.000000e+00> : vector<2048x64xf32>
    %dot_general3A_53 = tpu.matmul %convert_element_type3A_50, %convert_element_type3A_51, %dot_general3A_52 {dimension_numbers = #tpu.dot_dimension_numbers<[1], [0], [0], [1], [0, 0, 1, 1], [], []>, transpose_lhs_hint = false} : vector<2048x2048xbf16>, vector<2048x64xbf16>, vector<2048x64xf32> -> vector<2048x64xf32>
    %get3A_54 = arith.constant 0 : index
    %get3A_55 = arith.constant 64 : index
    %get3A_56 = vector.load %arg2[%get3A_54, %get3A_55] : memref<2048x128xf32, #tpu.memory_space<vmem>>, vector<2048x64xf32>
    %get3A_57 = arith.constant 0 : index
    %get3A_58 = arith.constant 64 : index
    %get3A_59 = vector.load %arg3[%get3A_57, %get3A_58] : memref<2048x128xf32, #tpu.memory_space<vmem>>, vector<2048x64xf32>
    %get3A_60 = arith.constant 0 : index
    %get3A_61 = arith.constant 64 : index
    %get3A_62 = vector.load %arg4[%get3A_60, %get3A_61] : memref<2048x128xf32, #tpu.memory_space<vmem>>, vector<2048x64xf32>
    %get3A_63 = arith.constant 1 : index
    %get3A_64 = arith.constant 0 : index
    %get3A_65 = arith.constant 0 : index
    %get3A_66 = vector.load %arg5[%get3A_63, %get3A_64, %get3A_65] : memref<2x4x2048xi32, #tpu.memory_space<vmem>>, vector<1x4x2048xi32>
    %get3A_67 = vector.shape_cast %get3A_66 : vector<1x4x2048xi32> to vector<4x2048xi32>
    %slice3A_68 = vector.extract_strided_slice %get3A_67 {offsets = [0, 0], sizes = [1, 2048], strides = [1, 1]} : vector<4x2048xi32> to vector<1x2048xi32>
    %eq3A_69 = vector.broadcast %slice3A_68 : vector<1x2048xi32> to vector<256x2048xi32>
    %eq3A_70 = arith.cmpi eq, %iota3A, %eq3A_69 : vector<256x2048xi32>
    %slice3A_71 = vector.extract_strided_slice %get3A_67 {offsets = [1, 0], sizes = [1, 2048], strides = [1, 1]} : vector<4x2048xi32> to vector<1x2048xi32>
    %eq3A_72 = vector.broadcast %slice3A_71 : vector<1x2048xi32> to vector<256x2048xi32>
    %eq3A_73 = arith.cmpi eq, %iota3A, %eq3A_72 : vector<256x2048xi32>
    %or3A_74 = arith.ori %eq3A_70, %eq3A_73 : vector<256x2048xi1>
    %slice3A_75 = vector.extract_strided_slice %get3A_67 {offsets = [2, 0], sizes = [1, 2048], strides = [1, 1]} : vector<4x2048xi32> to vector<1x2048xi32>
    %eq3A_76 = vector.broadcast %slice3A_75 : vector<1x2048xi32> to vector<256x2048xi32>
    %eq3A_77 = arith.cmpi eq, %iota3A, %eq3A_76 : vector<256x2048xi32>
    %or3A_78 = arith.ori %or3A_74, %eq3A_77 : vector<256x2048xi1>
    %slice3A_79 = vector.extract_strided_slice %get3A_67 {offsets = [3, 0], sizes = [1, 2048], strides = [1, 1]} : vector<4x2048xi32> to vector<1x2048xi32>
    %eq3A_80 = vector.broadcast %slice3A_79 : vector<1x2048xi32> to vector<256x2048xi32>
    %eq3A_81 = arith.cmpi eq, %iota3A, %eq3A_80 : vector<256x2048xi32>
    %or3A_82 = arith.ori %or3A_78, %eq3A_81 : vector<256x2048xi1>
    %jit3A_83 = arith.constant 1.024000e+03 : f32
    %jit3A_84 = arith.constant 0.000000e+00 : f32
    %broadcast_in_dim3A_85 = vector.broadcast %jit3A_83 : f32 to vector<256x2048xf32>
    %broadcast_in_dim3A_86 = vector.broadcast %jit3A_84 : f32 to vector<256x2048xf32>
    %select_n3A_87 = arith.select %or3A_82, %broadcast_in_dim3A_85, %broadcast_in_dim3A_86 : vector<256x2048xi1>, vector<256x2048xf32>
    %mul3A_88 = arith.constant 1.250000e-01 : f32
    %mul3A_89 = vector.broadcast %mul3A_88 : f32 to vector<2048x64xf32>
    %mul3A_90 = arith.mulf %get3A_56, %mul3A_89 : vector<2048x64xf32>
    %convert_element_type3A_91 = arith.truncf %mul3A_90 : vector<2048x64xf32> to vector<2048x64xbf16>
    %convert_element_type3A_92 = arith.truncf %get3A_59 : vector<2048x64xf32> to vector<2048x64xbf16>
    %dot_general3A_93 = arith.constant dense<0.000000e+00> : vector<2048x2048xf32>
    %dot_general3A_94 = tpu.matmul %convert_element_type3A_91, %convert_element_type3A_92, %dot_general3A_93 {dimension_numbers = #tpu.dot_dimension_numbers<[1], [1], [0], [0], [0, 0, 1, 0], [], []>, transpose_lhs_hint = false} : vector<2048x64xbf16>, vector<2048x64xbf16>, vector<2048x2048xf32> -> vector<2048x2048xf32>
    %convert_element_type3A_95 = arith.truncf %select_n3A_87 : vector<256x2048xf32> to vector<256x2048xbf16>
    %dot_general3A_96 = arith.constant dense<0.000000e+00> : vector<2048x2048xf32>
    %dot_general3A_97 = tpu.matmul %convert_element_type3A_95, %get3A_1, %dot_general3A_96 {dimension_numbers = #tpu.dot_dimension_numbers<[0], [1], [1], [0], [0, 1, 1, 0], [], []>, transpose_lhs_hint = false} : vector<256x2048xbf16>, vector<2048x256xbf16>, vector<2048x2048xf32> -> vector<2048x2048xf32>
    %add3A_98 = arith.addf %dot_general3A_94, %dot_general3A_97 : vector<2048x2048xf32>
    %reduce_max3A_99 = arith.constant dense<0xFF800000> : vector<2048xf32>
    %reduce_max3A_100 = vector.multi_reduction <maximumf>, %add3A_98, %reduce_max3A_99 [1] : vector<2048x2048xf32> to vector<2048xf32>
    %broadcast_in_dim3A_101 = vector.shape_cast %reduce_max3A_100 : vector<2048xf32> to vector<2048x1xf32>
    %sub3A_102 = vector.broadcast %broadcast_in_dim3A_101 : vector<2048x1xf32> to vector<2048x2048xf32>
    %sub3A_103 = arith.subf %add3A_98, %sub3A_102 : vector<2048x2048xf32>
    %exp3A_104 = math.exp %sub3A_103 : vector<2048x2048xf32>
    %reduce_sum3A_105 = arith.constant dense<0.000000e+00> : vector<2048xf32>
    %reduce_sum3A_106 = vector.multi_reduction <add>, %exp3A_104, %reduce_sum3A_105 [1] : vector<2048x2048xf32> to vector<2048xf32>
    %broadcast_in_dim3A_107 = vector.shape_cast %reduce_sum3A_106 : vector<2048xf32> to vector<2048x1xf32>
    %div3A_108 = arith.constant 1.000000e+00 : f32
    %div3A_109 = vector.broadcast %div3A_108 : f32 to vector<2048x1xf32>
    %div3A_110 = arith.divf %div3A_109, %broadcast_in_dim3A_107 : vector<2048x1xf32>
    %mul3A_111 = vector.broadcast %div3A_110 : vector<2048x1xf32> to vector<2048x2048xf32>
    %mul3A_112 = arith.mulf %exp3A_104, %mul3A_111 : vector<2048x2048xf32>
    %convert_element_type3A_113 = arith.truncf %mul3A_112 : vector<2048x2048xf32> to vector<2048x2048xbf16>
    %convert_element_type3A_114 = arith.truncf %get3A_62 : vector<2048x64xf32> to vector<2048x64xbf16>
    %dot_general3A_115 = arith.constant dense<0.000000e+00> : vector<2048x64xf32>
    %dot_general3A_116 = tpu.matmul %convert_element_type3A_113, %convert_element_type3A_114, %dot_general3A_115 {dimension_numbers = #tpu.dot_dimension_numbers<[1], [0], [0], [1], [0, 0, 1, 1], [], []>, transpose_lhs_hint = false} : vector<2048x2048xbf16>, vector<2048x64xbf16>, vector<2048x64xf32> -> vector<2048x64xf32>
    %concatenate3A = tpu.concatenate %dot_general3A_53, %dot_general3A_116 in 1 : vector<2048x64xf32>, vector<2048x64xf32> -> vector<2048x128xf32>
    %get3A_117 = arith.constant 0 : index
    %get3A_118 = arith.constant 0 : index
    %get3A_119 = vector.load %arg9[%get3A_117, %get3A_118] : memref<2048x768xf32, #tpu.memory_space<vmem>>, vector<2048x768xf32>
    %get3A_120 = arith.constant 0 : index
    %get3A_121 = arith.constant 0 : index
    %get3A_122 = vector.load %arg7[%get3A_120, %get3A_121] : memref<768x128xf32, #tpu.memory_space<vmem>>, vector<768x128xf32>
    %convert_element_type3A_123 = arith.truncf %concatenate3A : vector<2048x128xf32> to vector<2048x128xbf16>
    %convert_element_type3A_124 = arith.truncf %get3A_122 : vector<768x128xf32> to vector<768x128xbf16>
    %dot_general3A_125 = arith.constant dense<0.000000e+00> : vector<2048x768xf32>
    %dot_general3A_126 = tpu.matmul %convert_element_type3A_123, %convert_element_type3A_124, %dot_general3A_125 {dimension_numbers = #tpu.dot_dimension_numbers<[1], [1], [0], [0], [0, 0, 1, 0], [], []>, transpose_lhs_hint = false} : vector<2048x128xbf16>, vector<768x128xbf16>, vector<2048x768xf32> -> vector<2048x768xf32>
    %add3A_127 = arith.addf %get3A_119, %dot_general3A_126 : vector<2048x768xf32>
    %swap3A = arith.constant 0 : index
    %swap3A_128 = arith.constant 0 : index
    %swap3A_129 = vector.load %arg9[%swap3A, %swap3A_128] : memref<2048x768xf32, #tpu.memory_space<vmem>>, vector<2048x768xf32>
    tpu.vector_store %arg9[%swap3A, %swap3A_128], %add3A_127 {strides = array<i32>} : memref<2048x768xf32, #tpu.memory_space<vmem>>, vector<2048x768xf32>,
    return
  }
  func.func @transform_0(%arg0: i32, %arg1: i32) -> (i32, i32) {
    %c0_i32 = arith.constant 0 : i32
    return %arg0, %arg1 : i32, i32
  }
  func.func @transform_1(%arg0: i32, %arg1: i32) -> (i32, i32) {
    %add3A = arith.constant 6 : i32
    %add3A_0 = arith.addi %add3A, %arg1 : i32
    %c0_i32 = arith.constant 0 : i32
    %c0_i32_1 = arith.constant 0 : i32
    return %c0_i32, %add3A_0 : i32, i32
  }
  func.func @transform_2(%arg0: i32, %arg1: i32) -> (i32, i32) {
    %add3A = arith.constant 12 : i32
    %add3A_0 = arith.addi %add3A, %arg1 : i32
    %c0_i32 = arith.constant 0 : i32
    %c0_i32_1 = arith.constant 0 : i32
    return %c0_i32, %add3A_0 : i32, i32
  }
  func.func @transform_3(%arg0: i32, %arg1: i32) -> (i32, i32, i32) {
    %c0_i32 = arith.constant 0 : i32
    %c0_i32_0 = arith.constant 0 : i32
    %c0_i32_1 = arith.constant 0 : i32
    return %arg1, %c0_i32, %c0_i32_0 : i32, i32, i32
  }
  func.func @transform_4(%arg0: i32, %arg1: i32) -> (i32, i32) {
    %c0_i32 = arith.constant 0 : i32
    %c0_i32_0 = arith.constant 0 : i32
    %c0_i32_1 = arith.constant 0 : i32
    return %c0_i32, %c0_i32_0 : i32, i32
  }
  func.func @transform_5(%arg0: i32, %arg1: i32) -> (i32, i32) {
    %c0_i32 = arith.constant 0 : i32
    %c0_i32_0 = arith.constant 0 : i32
    return %c0_i32, %arg1 : i32, i32
  }
  func.func @transform_6(%arg0: i32, %arg1: i32) -> (i32, i32) {
    %c0_i32 = arith.constant 0 : i32
    %c0_i32_0 = arith.constant 0 : i32
    %c0_i32_1 = arith.constant 0 : i32
    return %c0_i32, %c0_i32_0 : i32, i32
  }
  func.func @transform_7(%arg0: i32, %arg1: i32) -> (i32, i32) {
    %c0_i32 = arith.constant 0 : i32
    %c0_i32_0 = arith.constant 0 : i32
    return %arg0, %c0_i32 : i32, i32
  }
}

module attributes {stable_mosaic.version = 14 : i64} {
  func.func @_rs_kernel(%arg0: i32, %arg1: memref<2048x128xf32, #tpu.memory_space<vmem>>, %arg2: memref<2048x128xf32, #tpu.memory_space<vmem>>, %arg3: memref<2x256x2048xf32, #tpu.memory_space<vmem>>) attributes {dimension_semantics = [#tpu.dimension_semantics<arbitrary>], iteration_bounds = array<i64: 6>, scalar_prefetch = 0 : i64, scratch_operands = 0 : i64, tpu.core_type = #tpu.core_type<tc>, window_params = [{transform_indices = @transform_0, window_bounds = array<i64: 2048, 128>}, {transform_indices = @transform_1, window_bounds = array<i64: 2048, 128>}, {transform_indices = @transform_2, window_bounds = array<i64: 2, 256, 2048>}]} {
    %get3A = arith.constant 0 : index
    %get3A_0 = arith.constant 0 : index
    %get3A_1 = vector.load %arg2[%get3A, %get3A_0] : memref<2048x128xf32, #tpu.memory_space<vmem>>, vector<2048x64xf32>
    %reshape3A = vector.shape_cast %get3A_1 : vector<2048x64xf32> to vector<256x8x64xf32>
    %reduce_sum3A = arith.constant dense<0.000000e+00> : vector<256x64xf32>
    %reduce_sum3A_2 = vector.multi_reduction <add>, %reshape3A, %reduce_sum3A [1] : vector<256x8x64xf32> to vector<256x64xf32>
    %div3A = arith.constant 8.000000e+00 : f32
    %div3A_3 = vector.broadcast %div3A : f32 to vector<256x64xf32>
    %div3A_4 = arith.divf %reduce_sum3A_2, %div3A_3 : vector<256x64xf32>
    %get3A_5 = arith.constant 0 : index
    %get3A_6 = arith.constant 0 : index
    %get3A_7 = vector.load %arg1[%get3A_5, %get3A_6] : memref<2048x128xf32, #tpu.memory_space<vmem>>, vector<2048x64xf32>
    %convert_element_type3A = arith.truncf %div3A_4 : vector<256x64xf32> to vector<256x64xbf16>
    %convert_element_type3A_8 = arith.truncf %get3A_7 : vector<2048x64xf32> to vector<2048x64xbf16>
    %dot_general3A = arith.constant dense<0.000000e+00> : vector<256x2048xf32>
    %dot_general3A_9 = tpu.matmul %convert_element_type3A, %convert_element_type3A_8, %dot_general3A {dimension_numbers = #tpu.dot_dimension_numbers<[1], [1], [0], [0], [0, 0, 1, 0], [], []>, transpose_lhs_hint = false} : vector<256x64xbf16>, vector<2048x64xbf16>, vector<256x2048xf32> -> vector<256x2048xf32>
    %swap3A = arith.constant 0 : index
    %swap3A_10 = arith.constant 0 : index
    %swap3A_11 = arith.constant 0 : index
    %swap3A_12 = vector.load %arg3[%swap3A, %swap3A_10, %swap3A_11] : memref<2x256x2048xf32, #tpu.memory_space<vmem>>, vector<1x256x2048xf32>
    %swap3A_13 = vector.shape_cast %swap3A_12 : vector<1x256x2048xf32> to vector<256x2048xf32>
    %swap3A_14 = vector.shape_cast %dot_general3A_9 : vector<256x2048xf32> to vector<1x256x2048xf32>
    tpu.vector_store %arg3[%swap3A, %swap3A_10, %swap3A_11], %swap3A_14 {strides = array<i32>} : memref<2x256x2048xf32, #tpu.memory_space<vmem>>, vector<1x256x2048xf32>,
    %get3A_15 = arith.constant 0 : index
    %get3A_16 = arith.constant 64 : index
    %get3A_17 = vector.load %arg2[%get3A_15, %get3A_16] : memref<2048x128xf32, #tpu.memory_space<vmem>>, vector<2048x64xf32>
    %reshape3A_18 = vector.shape_cast %get3A_17 : vector<2048x64xf32> to vector<256x8x64xf32>
    %reduce_sum3A_19 = arith.constant dense<0.000000e+00> : vector<256x64xf32>
    %reduce_sum3A_20 = vector.multi_reduction <add>, %reshape3A_18, %reduce_sum3A_19 [1] : vector<256x8x64xf32> to vector<256x64xf32>
    %div3A_21 = arith.constant 8.000000e+00 : f32
    %div3A_22 = vector.broadcast %div3A_21 : f32 to vector<256x64xf32>
    %div3A_23 = arith.divf %reduce_sum3A_20, %div3A_22 : vector<256x64xf32>
    %get3A_24 = arith.constant 0 : index
    %get3A_25 = arith.constant 64 : index
    %get3A_26 = vector.load %arg1[%get3A_24, %get3A_25] : memref<2048x128xf32, #tpu.memory_space<vmem>>, vector<2048x64xf32>
    %convert_element_type3A_27 = arith.truncf %div3A_23 : vector<256x64xf32> to vector<256x64xbf16>
    %convert_element_type3A_28 = arith.truncf %get3A_26 : vector<2048x64xf32> to vector<2048x64xbf16>
    %dot_general3A_29 = arith.constant dense<0.000000e+00> : vector<256x2048xf32>
    %dot_general3A_30 = tpu.matmul %convert_element_type3A_27, %convert_element_type3A_28, %dot_general3A_29 {dimension_numbers = #tpu.dot_dimension_numbers<[1], [1], [0], [0], [0, 0, 1, 0], [], []>, transpose_lhs_hint = false} : vector<256x64xbf16>, vector<2048x64xbf16>, vector<256x2048xf32> -> vector<256x2048xf32>
    %swap3A_31 = arith.constant 1 : index
    %swap3A_32 = arith.constant 0 : index
    %swap3A_33 = arith.constant 0 : index
    %swap3A_34 = vector.load %arg3[%swap3A_31, %swap3A_32, %swap3A_33] : memref<2x256x2048xf32, #tpu.memory_space<vmem>>, vector<1x256x2048xf32>
    %swap3A_35 = vector.shape_cast %swap3A_34 : vector<1x256x2048xf32> to vector<256x2048xf32>
    %swap3A_36 = vector.shape_cast %dot_general3A_30 : vector<256x2048xf32> to vector<1x256x2048xf32>
    tpu.vector_store %arg3[%swap3A_31, %swap3A_32, %swap3A_33], %swap3A_36 {strides = array<i32>} : memref<2x256x2048xf32, #tpu.memory_space<vmem>>, vector<1x256x2048xf32>,
    return
  }
  func.func @transform_0(%arg0: i32) -> (i32, i32) {
    %c0_i32 = arith.constant 0 : i32
    %c0_i32_0 = arith.constant 0 : i32
    return %c0_i32, %arg0 : i32, i32
  }
  func.func @transform_1(%arg0: i32) -> (i32, i32) {
    %add3A = arith.constant 6 : i32
    %add3A_0 = arith.addi %add3A, %arg0 : i32
    %c0_i32 = arith.constant 0 : i32
    %c0_i32_1 = arith.constant 0 : i32
    return %c0_i32, %add3A_0 : i32, i32
  }
  func.func @transform_2(%arg0: i32) -> (i32, i32, i32) {
    %c0_i32 = arith.constant 0 : i32
    %c0_i32_0 = arith.constant 0 : i32
    %c0_i32_1 = arith.constant 0 : i32
    return %arg0, %c0_i32, %c0_i32_0 : i32, i32, i32
  }
}

</mosaic_0001>

<sc_bundles>
// kernel: kernel.6.cloned.1.call-start
scs
__scs_entry_jumppad:
0x0: {  	(pc) =	sbr.rel $0x88, $3  }
0x1: {  	(tag) =	ssettag $0x0;
	lr =	simm.s32 $0x1  }
0x2: {  	[smem:$0x3F9D] =	sst lr;
	_ =	strace $0xD0000000  }
0x3: {  	_ = 	snop  }
0x4: {  	_ = 	snop  }
0x5: {  	_ = 	snop  }
0x6: {  	_ = 	snop  }
0x7: {  	_ = 	snop  }
__scs_overlays_trampoline_lowered:
0x8: {  	[smem:$0x3FAC] =	sst s0  }
0x9: {  	[smem:$0x3FAD] =	sst s1  }
0xa: {  	[smem:$0x3FAE] =	sst s2  }
0xb: {  	[smem:$0x3FAF] =	sst s3  }
0xc: {  	[smem:$0x3FB0] =	sst s4  }
0xd: {  	[smem:$0x3FB1] =	sst s5  }
0xe: {  	[smem:$0x3FB2] =	sst s6  }
0xf: {  	[smem:$0x3FB3] =	sst s7  }
0x10: {  	[smem:$0x3FB4] =	sst s8  }
0x11: {  	[smem:$0x3FB5] =	sst s9;
	s0 =	simm.s32 @!p0 $0x0  }
0x12: {  	s1 =	sld [smem:$0x3F9B];
	s0 =	simm.s32 @p0 $0x1  }
0x13: {  	[smem:$0x3FB6] =	sst s0;
	s0 =	simm.s32 @!p1 $0x0  }
0x14: {  	s2 =	sld [smem:$0x3F9A];
	s0 =	simm.s32 @p1 $0x1  }
0x15: {  	[smem:$0x3FB7] =	sst s0;
	s0 =	simm.s32 @!p2 $0x0  }
0x16: {  	s3 =	sld [smem:$0x3FDB];
	s0 =	simm.s32 @p2 $0x1  }
0x17: {  	s4 =	simm.s32 $0x1BF5;
	[smem:$0x3FB9] =	sst s0  }
0x18: {  	s0 =	sld [smem:$0x3F9C];
	_ =	swait.ge [sflag:s4], $0x0  }
0x19: {  	s7 =	sld [smem:$0x3F9D]  }
0x1a: {  	s8 =	sadd.s32 $0xFFFFE003, lr  }
0x1b: {  	s9 =	sadd.s32 $0xFFFFFEF7, lr;
	s5 =	simm.s32 $0xFFFFFFFF;
	p2 =	slt.u32 s8, $0xFFFFF086  }
0x1c: {  	p1 =	slt.u32 s9, $0xF7A;
	s5 =	simm.s32 @!p2 $0x0  }
0x1d: {  	s5 =	simm.s32 @p1 $0x1;
	p0 =	seq.s32 s7, s2  }
0x1e: {  	s7 =	smul.u32 @!p0 $0xF7A, s2;
	p2 =	seq.s32 @!p0 s5, $0x0  }
0x1f: {  	s9 =	smul.u32 $0xF7A, s1;
	s8 =	simm.s32 @!p0 $0x1BF5;
	p2 =	por !p2, p0  }
0x20: {  	[sflag:s8] =	ssyncset.s32 @!p0 $0xFFFFF086;
	s6 =	sadd.s32 @!p0 s3, s7;
	s7 =	simm.s32 @!p0 $0x108  }
0x21: {  	s3 =	sadd.s32 s3, s9;
	s6 =	sadd.s32 @!p0 $0x88, s6;
	s7 =	simm.s32 @p2 $0x1082  }
0x22: {  	[simem:s7], [sflag:s8] =	dma.local @!p0 [hbm:s6], $0xF7A  }
0x23: {  	s9 =	sor.u32 $0xD0000000, s2;
	s6 =	simm.s32 $0x108;
	_ =	swait.ge @!p0 [sflag:s8], $0x0  }
0x24: {  	s3 =	sadd.s32 $0x88, s3;
	s6 =	simm.s32 @!p1 $0x1082;
	[sflag:s4] =	ssyncset.s32 $0xFFFFF086  }
0x25: {  	[simem:s6], [sflag:s4] =	dma.local [hbm:s3], $0xF7A  }
0x26: {  	[smem:$0x3F9D] =	sst s1;
	(tag) =	ssettag s2;
	_ =	strace s9  }
0x27: {  	s1 =	sld [smem:$0x3FAD]  }
0x28: {  	s2 =	sld [smem:$0x3FAE]  }
0x29: {  	s4 =	sld [smem:$0x3FB0]  }
0x2a: {  	p0 =	seq.s32 s5, $0x0;
	s5 =	sld [smem:$0x3FB1]  }
0x2b: {  	s6 =	sld [smem:$0x3FB2]  }
0x2c: {  	s7 =	sld [smem:$0x3FB3]  }
0x2d: {  	s3 =	simm.s32 $0x108;
	s8 =	sld [smem:$0x3FB4]  }
0x2e: {  	s3 =	simm.s32 @!p0 $0x1082;
	s9 =	sld [smem:$0x3FB5]  }
0x2f: {  	lr =	sadd.s32 s0, s3;
	s0 =	sld [smem:$0x3FAC]  }
0x30: {  	s3 =	sld [smem:$0x3FAF]  }
0x31: {  	[smem:$0x3FB8] =	sst s10  }
0x32: {  	s10 =	sld [smem:$0x3FB6];
	_ =	sdelay $0x3  }
0x33: {  	p0 =	seq.s32 s10, $0x1;
	s10 =	sld [smem:$0x3FB8];
	_ =	sdelay $0x3  }
0x34: {  	[smem:$0x3FB8] =	sst s10  }
0x35: {  	s10 =	sld [smem:$0x3FB7];
	_ =	sdelay $0x3  }
0x36: {  	p1 =	seq.s32 s10, $0x1;
	s10 =	sld [smem:$0x3FB8];
	_ =	sdelay $0x3  }
0x37: {  	[smem:$0x3FB8] =	sst s10  }
0x38: {  	s10 =	sld [smem:$0x3FB9]  }
0x39: {  	_ = 	snop;
	(pc) =	sbr.ind lr, $3  }
0x3a: {  	_ = 	snop  }
0x3b: {  	_ = 	snop  }
0x3c: {  	p2 =	seq.s32 s10, $0x1;
	s10 =	sld [smem:$0x3FB8]  }
0x3d: {  	_ =	shalt  }
0x3e: {  	_ =	shalt  }
0x3f: {  	_ =	shalt  }
0x40: {  	_ =	shalt  }
0x41: {  	_ =	shalt  }
0x42: {  	_ =	shalt  }
0x43: {  	_ =	shalt  }
0x44: {  	_ =	shalt  }
0x45: {  	_ =	shalt  }
0x46: {  	_ =	shalt  }
0x47: {  	_ =	shalt  }
0x48: {  	_ =	shalt  }
0x49: {  	_ =	shalt  }
0x4a: {  	_ =	shalt  }
0x4b: {  	_ =	shalt  }
0x4c: {  	_ =	shalt  }
0x4d: {  	_ =	shalt  }
0x4e: {  	_ =	shalt  }
0x4f: {  	_ =	shalt  }
0x50: {  	_ =	shalt  }
0x51: {  	_ =	shalt  }
0x52: {  	_ =	shalt  }
0x53: {  	_ =	shalt  }
0x54: {  	_ =	shalt  }
0x55: {  	_ =	shalt  }
0x56: {  	_ =	shalt  }
0x57: {  	_ =	shalt  }
0x58: {  	_ =	shalt  }
0x59: {  	_ =	shalt  }
0x5a: {  	_ =	shalt  }
0x5b: {  	_ =	shalt  }
0x5c: {  	_ =	shalt  }
0x5d: {  	_ =	shalt  }
0x5e: {  	_ =	shalt  }
0x5f: {  	_ =	shalt  }
0x60: {  	_ =	shalt  }
0x61: {  	_ =	shalt  }
0x62: {  	_ =	shalt  }
0x63: {  	_ =	shalt  }
0x64: {  	_ =	shalt  }
0x65: {  	_ =	shalt  }
0x66: {  	_ =	shalt  }
0x67: {  	_ =	shalt  }
0x68: {  	_ =	shalt  }
0x69: {  	_ =	shalt  }
0x6a: {  	_ =	shalt  }
0x6b: {  	_ =	shalt  }
0x6c: {  	_ =	shalt  }
0x6d: {  	_ =	shalt  }
0x6e: {  	_ =	shalt  }
0x6f: {  	_ =	shalt  }
0x70: {  	_ =	shalt  }
0x71: {  	_ =	shalt  }
0x72: {  	_ =	shalt  }
0x73: {  	_ =	shalt  }
0x74: {  	_ =	shalt  }
0x75: {  	_ =	shalt  }
0x76: {  	_ =	shalt  }
0x77: {  	_ =	shalt  }
0x78: {  	_ =	shalt  }
0x79: {  	_ =	shalt  }
0x7a: {  	_ =	shalt  }
0x7b: {  	_ =	shalt  }
0x7c: {  	_ =	shalt  }
0x7d: {  	_ =	shalt  }
0x7e: {  	_ =	shalt  }
0x7f: {  	_ =	shalt  }
0x80: {  	_ =	shalt  }
0x81: {  	_ =	shalt  }
0x82: {  	_ =	shalt  }
0x83: {  	_ =	shalt  }
0x84: {  	_ =	shalt  }
0x85: {  	_ =	shalt  }
0x86: {  	_ =	shalt  }
0x87: {  	_ =	shalt  }
.Lfunc_end0:
.L_simem_size_0:
called_computation_lowered:
.L_overlay_start_0:
0x88: {  	s2 =	sld [smem:$0x3FD9]  }
0x89: {  	s3 =	sld [smem:$0x3FFE];
	_ =	sdelay $0x1  }
0x8a: {  	s1 =	srdreg.scid  }
0x8b: {  	s0 =	sand.u32 $0x1, s1  }
0x8c: {  	s17 =	sshll.u32 s0, $0xA;
	s2 =	sadd.s32 s3, s2  }
0x8d: {  	s2 =	sadd.s32 s2, s17  }
0x8e: {  	[smem:$0x3FC4] =	sst s2  }
0x8f: {  	_ = 	snop  }
0x90: {  	s2 =	sld [smem:$0x3FD0];
	(tm) =	ssettm $0x1  }
0x91: {  	s18 =	sld [smem:$0x3FFB];
	_ =	sdelay $0x3  }
0x92: {  	_ =	strace s18  }
0x93: {  	s3 =	sld [smem:$0x3FFC];
	_ =	sdelay $0x3  }
0x94: {  	_ =	strace s3  }
0x95: {  	s3 =	sld [smem:$0x3FFD];
	_ =	sdelay $0x3  }
0x96: {  	_ =	strace s3  }
0x97: {  	_ =	strace $0x8FFFFFFF  }
0x98: {  	s19 =	sld [smem:$0x3FDB];
	_ =	sdelay $0x1  }
0x99: {  	s4 =	simm.s32 $_scs_section_size  }
0x9a: {  	s5 =	simm.s32 $_size__tile_overlayer_lowered;
	s6 =	simm.s32 $_tile_overlayer_lowered  }
0x9b: {  	s22 =	simm.s32 $0x1BFF;
	s21 =	sshll.u32 s6, $0x1;
	s3 =	sadd.s32 s4, s19  }
0x9c: {  	s7 =	simm.s32 $0x0;
	s20 =	sshll.u32 s5, $0x1;
	s5 =	sadd.s32 s21, s3  }
0x9d: {  	[timem:s7], [sflag:s22] =	dma.local [hbm:s5], s20  }
0x9e: {  	_ =	swait.ge [sflag:s22], s20  }
0x9f: {  	s4 =	ssub.s32 $0x0, s20;
	[sflag:s22] =	ssyncset.done $0x0  }
0xa0: {  	[sflag:s22] =	ssyncadd.s32 s4;
	_ =	sdelay $0x1  }
0xa1: {  	s23 =	simm.s32 $0x1B8B  }
0xa2: {  	_ =	swait.ge [sflag:s23], $0x1  }
0xa3: {  	[sflag:s23] =	ssyncset.done $0x0  }
0xa4: {  	s25 =	simm.s32 $0x1B8E;
	s24 =	sld [smem:$0x3FFE];
	[sflag:s23] =	ssyncadd.s32 $0xFFFFFFFF  }
0xa5: {  	s26 =	simm.s32 $execute0_lowered;
	[smem:$0x3FD2] =	sst s25  }
0xa6: {  	s5 =	sshll.u32 s26, $0x1;
	_ =	strace $0x80000046;
	[dreg:$0x1] =	wrdreg $0xFFFFFFFF  }
0xa7: {  	s28 =	simm.s32 $_size_execute0_lowered;
	s3 =	sadd.s32 s3, s5;
	[dreg:$0x0] =	wrdreg $0x0  }
0xa8: {  	s5 =	sshll.u32 s28, $0x1;
	[dreg:$0x2] =	wrdreg s3  }
0xa9: {  	[dreg:$0x3] =	wrdreg s5  }
0xaa: {  	[dreg:$0x4] =	wrdreg $0xC0  }
0xab: {  	_ =	task [dreg:s7], $0x5FFFF  }
0xac: {  	[dreg:$0x1] =	wrdreg $0xFFFFFFFF  }
0xad: {  	[dreg:$0x0] =	wrdreg $0x60  }
0xae: {  	[dreg:$0x2] =	wrdreg s24  }
0xaf: {  	[dreg:$0x3] =	wrdreg s2  }
0xb0: {  	[dreg:$0x4] =	wrdreg $0x9  }
0xb1: {  	_ =	task.clear_ibuf [dreg:s7], $0x5FFFF;
	_ =	strace $0x90000046  }
0xb2: {  	s29 =	simm.s32 $0x9;
	_ =	strace $0x80000048  }
0xb3: {  	_ =	swait.ge [sflag:s29], $0x1  }
0xb4: {  	[sflag:s29] =	ssyncadd.s32 $0xFFFFFFFF  }
0xb5: {  	_ =	strace $0x90000048  }
0xb6: {  	_ =	sfence  }
0xb7: {  	s30 =	sld [smem:$0x0];
	_ =	sdelay $0x2  }
0xb8: {  	s31 =	sshll.u32 s1, $0xD;
	s1 =	sshrl.u32 s1, $0x2  }
0xb9: {  	s3 =	sand.u32 $0x4000, s31;
	s1 =	sadd.s32 s1, s30  }
0xba: {  	s0 =	sor.u32 s3, s0;
	s1 =	sshll.u32 s1, $0x11  }
0xbb: {  	s0 =	sor.u32 s1, s0  }
0xbc: {  	s0 =	sadd.s32 $0x8F2B, s0  }
0xbd: {  	[sflag:s0] =	ssyncadd.remote.s32 $0x1  }
0xbe: {  	_ =	sfence.sel $0xFFFF  }
0xbf: {  	[dreg:$0x0] =	wrdreg $0xFFFFFFFF;
	(pc) =	sbr.abs _section_cstart, $3  }
0xc0: {  	[dreg:$0x1] =	wrdreg $0xFFFFFFFF  }
0xc1: {  	_ =	task.clear_ibuf [dreg:s7], $0x2FFFF;
	_ =	strace $0x9FFFFFFF  }
0xc2: {  	(tm) =	ssettm $0x7FFFFFFF  }
0xc3: {  	_ =	shalt  }
tec
execute0_lowered:
.L_overlay_start_1:
0x0: {  	(tag) =	ssettag $0x1  }
0x1: {  	s4 =	rddreg [dreg:$0x0]  }
0x2: {  	s2 =	rddreg [dreg:$0x1]  }
0x3: {  	s0 =	rddreg [dreg:$0x2];
	s5 =	srdreg.scid  }
0x4: {  	s3 =	simm.s32 $0x0;
	s1 =	stileid.u32;
	s9 =	simm.s32 $0x1  }
0x5: {  	s10 =	simm.s32 $0x8000;
	s11 =	simm.s32 $0x0;
	s5 =	sand.u32 $0x1, s5  }
0x6: {  	[smem:$0x7FF] =	sst s3;
	s7 =	sshll.u32 s1, $0x1;
	s6 =	ssub.s32 $0x2, s5  }
0x7: {  	s4 =	sadd.s32 $0x92400, s4;
	_ =	strace $0x80000047;
	s8 =	sshrl.u32 s6, $0x1  }
0x8: {  	s5 =	sor.u32 s5, s7;
	s7 =	simm.s32 $0x400;
	s6 =	ssub.s32 s6, s8  }
0x9: {  	s5 =	smul.u32 $0x6, s5;
	s8 =	simm.s32 $0x4000;
	s6 =	smax.u32 s6, $0x1  }
.LBB2_1:
0xa: {  	s12 =	simm.s32 $0x0  }
.LBB2_2:
0xb: {  	s14 =	sadd.s32 s5, s12  }
0xc: {  	s13 =	sshrl.u32 s14, $0x4  }
0xd: {  	s14 =	sshll.u32 s14, $0x7;
	s15 =	sshll.u32 s13, $0xB  }
0xe: {  	s30 =	sshll.u32 s13, $0x10;
	s14 =	ssub.s32 s14, s15  }
0xf: {  	s15 =	sadd.s32 s30, s14  }
0x10: {  	s15 =	sand.u32 $0x1FFFFF80, s15  }
0x11: {  	s16 =	sadd.s32 s4, s15;
	s15 =	simm.s32 $0x0  }
0x12: {  	[tilespmem:s15], [sflag:$0x1] =	stream.strided.gather [hbm4b:s16+s7], $0x8000, s8, s7, $0x38;
	[tilespmem:$0x8200] =	vst v63  }
0x13: {  	_ =	swait.ge [sflag:s9], $0x8000  }
0x14: {  	[sflag:s9] =	ssyncset.done $0x0  }
0x15: {  	[sflag:s9] =	ssyncadd.s32 $0xFFFF8000  }
0x16: {  	v2 =	vld [tilespmem:s15+$0x0];
	_ =	sdelay $0x2  }
0x17: {  	s31 =	simm.s32 $0x80  }
0x18: {  	v8 =	vimm.f32 $-1.000000020e+30;
	v3 =	vld [tilespmem:s31+$0x0]  }
0x19: {  	v0 =	vimm.s32 $0x100;
	vm1 =	vgt.f32 v2, v8;
	vm2 =	vgt.f32 v2, v8  }
0x1a: {  	vm0 =	vmmov vm1;
	v5 =	vsel vm1, s15, v0;
	v1 =	vsel vm1, s15, v0  }
0x1b: {  	v9 =	vsel vm1, v2, v8;
	v4 =	vsel vm0, s15, v0;
	v6 =	vsel vm0, v2, v8  }
0x1c: {  	v1 =	vsel vm1, v0, v1;
	v2 =	vsel vm2, v2, v8;
	v7 =	vsel vm0, v8, v9  }
0x1d: {  	v9 =	vsel vm1, v8, v9;
	v6 =	vsel vm2, v8, v6;
	vm1 =	vgt.f32 v3, v7  }
0x1e: {  	s17 =	simm.s32 $0x2;
	s18 =	simm.s32 $0x100;
	s16 =	simm.s32 $0x1;
	vm3 =	vgt.f32 v3, v9;
	v8 =	vimm.s32 $0x100;
	v10 =	vmovc v2;
	vm4 =	vgt.f32 v3, v6  }
.LBB2_3:
0x1f: {  	p0 =	sne.s32 s17, $0xFF;
	v12 =	vsel vm0, v8, v5  }
0x20: {  	v11 =	vld [tilespmem:s18+$0x0];
	v8 =	vsel vm2, v0, v4;
	v0 =	vsel vm2, s15, v0;
	vm0 =	vmmov vm4;
	s15 =	smov.u32 s16;
	s16 =	smov.u32 s17;
	s17 =	sadd.s32 $0x1, s17  }
.Ltmp0:
0x21: {  	v4 =	vsel vm0, s15, v8;
	v5 =	vsel vm1, s15, v12;
	v1 =	vsel vm3, s15, v1;
	(pc) =	sbr.rel @p0 .LBB2_3-.Ltmp0, $4  }
0x22: {  	vm2 =	vgt.f32 v3, v2;
	v9 =	vsel vm3, v3, v9;
	v1 =	vsel vm1, v12, v1  }
0x23: {  	v13 =	vsel vm1, v3, v7;
	v2 =	vsel vm2, v3, v2;
	v12 =	vsel vm0, v3, v6  }
0x24: {  	v9 =	vsel vm1, v7, v9;
	v7 =	vsel vm0, v6, v13;
	v6 =	vsel vm2, v10, v12;
	v10 =	vmovc v2  }
0x25: {  	s18 =	sadd.s32 $0x80, s18;
	vm4 =	vgt.f32 v11, v6;
	vm1 =	vgt.f32 v11, v7;
	vm3 =	vgt.f32 v11, v9;
	v3 =	vmovc v11  }
0x26: {  	v6 =	vsel vm2, s15, v0  }
0x27: {  	v0 =	vsel vm2, v0, v4;
	vm2 =	vmmov vm4;
	vm4 =	vgt.f32 v3, v2  }
0x28: {  	v2 =	vsel vm0, v8, v5;
	v1 =	vsel vm3, s16, v1;
	v4 =	vsel vm4, s16, v6  }
0x29: {  	v3 =	vsel vm2, s16, v0;
	v1 =	vsel vm1, v2, v1;
	[tilespmem:$0x8000] =	vst v4  }
0x2a: {  	v5 =	vsel vm1, s16, v2;
	v3 =	vsel vm4, v6, v3;
	[tilespmem:$0x8180] =	vst v1  }
0x2b: {  	v0 =	vsel vm2, v0, v5;
	[tilespmem:$0x8080] =	vst v3  }
0x2c: {  	s30 =	simm.s32 $0x10;
	[tilespmem:$0x8100] =	vst v0  }
0x2d: {  	v3 =	vld [tilespmem:s30+$0x0];
	_ =	sdelay $0x2  }
0x2e: {  	s31 =	simm.s32 $0x90  }
0x2f: {  	v8 =	vimm.f32 $-1.000000020e+30;
	v2 =	vld [tilespmem:s31+$0x0]  }
0x30: {  	s15 =	simm.s32 $0x0;
	v0 =	vimm.s32 $0x100;
	vm1 =	vgt.f32 v3, v8;
	vm2 =	vgt.f32 v3, v8  }
0x31: {  	vm0 =	vmmov vm1;
	v5 =	vsel vm1, s15, v0;
	v1 =	vsel vm1, s15, v0  }
0x32: {  	v9 =	vsel vm1, v3, v8;
	v4 =	vsel vm0, s15, v0;
	v6 =	vsel vm0, v3, v8  }
0x33: {  	v1 =	vsel vm1, v0, v1;
	v3 =	vsel vm2, v3, v8;
	v7 =	vsel vm0, v8, v9  }
0x34: {  	v9 =	vsel vm1, v8, v9;
	v6 =	vsel vm2, v8, v6;
	vm1 =	vgt.f32 v2, v7  }
0x35: {  	s17 =	simm.s32 $0x2;
	s18 =	simm.s32 $0x110;
	s16 =	simm.s32 $0x1;
	vm3 =	vgt.f32 v2, v9;
	v8 =	vimm.s32 $0x100;
	v10 =	vmovc v3;
	vm4 =	vgt.f32 v2, v6  }
.LBB2_5:
0x36: {  	p0 =	sne.s32 s17, $0xFF;
	v12 =	vsel vm0, v8, v5  }
0x37: {  	v11 =	vld [tilespmem:s18+$0x0];
	v8 =	vsel vm2, v0, v4;
	v0 =	vsel vm2, s15, v0;
	vm0 =	vmmov vm4;
	s15 =	smov.u32 s16;
	s16 =	smov.u32 s17;
	s17 =	sadd.s32 $0x1, s17  }
.Ltmp1:
0x38: {  	v4 =	vsel vm0, s15, v8;
	v5 =	vsel vm1, s15, v12;
	v1 =	vsel vm3, s15, v1;
	(pc) =	sbr.rel @p0 .LBB2_5-.Ltmp1, $4  }
0x39: {  	vm2 =	vgt.f32 v2, v3;
	v9 =	vsel vm3, v2, v9;
	v1 =	vsel vm1, v12, v1  }
0x3a: {  	v13 =	vsel vm1, v2, v7;
	v3 =	vsel vm2, v2, v3;
	v12 =	vsel vm0, v2, v6  }
0x3b: {  	v9 =	vsel vm1, v7, v9;
	v7 =	vsel vm0, v6, v13;
	v6 =	vsel vm2, v10, v12;
	v10 =	vmovc v3  }
0x3c: {  	s18 =	sadd.s32 $0x80, s18;
	vm4 =	vgt.f32 v11, v6;
	vm1 =	vgt.f32 v11, v7;
	vm3 =	vgt.f32 v11, v9;
	v2 =	vmovc v11  }
0x3d: {  	v6 =	vsel vm2, s15, v0  }
0x3e: {  	v0 =	vsel vm2, v0, v4;
	vm2 =	vmmov vm4;
	vm4 =	vgt.f32 v2, v3  }
0x3f: {  	v2 =	vsel vm0, v8, v5;
	v1 =	vsel vm3, s16, v1;
	v4 =	vsel vm4, s16, v6  }
0x40: {  	v3 =	vsel vm2, s16, v0;
	v1 =	vsel vm1, v2, v1;
	[tilespmem:$0x8010] =	vst v4  }
0x41: {  	v5 =	vsel vm1, s16, v2;
	v3 =	vsel vm4, v6, v3;
	[tilespmem:$0x8190] =	vst v1  }
0x42: {  	v0 =	vsel vm2, v0, v5;
	[tilespmem:$0x8090] =	vst v3  }
0x43: {  	s30 =	simm.s32 $0x20;
	[tilespmem:$0x8110] =	vst v0  }
0x44: {  	v3 =	vld [tilespmem:s30+$0x0];
	_ =	sdelay $0x2  }
0x45: {  	s31 =	simm.s32 $0xA0  }
0x46: {  	v8 =	vimm.f32 $-1.000000020e+30;
	v2 =	vld [tilespmem:s31+$0x0]  }
0x47: {  	s15 =	simm.s32 $0x0;
	v0 =	vimm.s32 $0x100;
	vm1 =	vgt.f32 v3, v8;
	vm2 =	vgt.f32 v3, v8  }
0x48: {  	vm0 =	vmmov vm1;
	v5 =	vsel vm1, s15, v0;
	v1 =	vsel vm1, s15, v0  }
0x49: {  	v9 =	vsel vm1, v3, v8;
	v4 =	vsel vm0, s15, v0;
	v6 =	vsel vm0, v3, v8  }
0x4a: {  	v1 =	vsel vm1, v0, v1;
	v3 =	vsel vm2, v3, v8;
	v7 =	vsel vm0, v8, v9  }
0x4b: {  	v9 =	vsel vm1, v8, v9;
	v6 =	vsel vm2, v8, v6;
	vm1 =	vgt.f32 v2, v7  }
0x4c: {  	s17 =	simm.s32 $0x2;
	s18 =	simm.s32 $0x120;
	s16 =	simm.s32 $0x1;
	vm3 =	vgt.f32 v2, v9;
	v8 =	vimm.s32 $0x100;
	v10 =	vmovc v3;
	vm4 =	vgt.f32 v2, v6  }
.LBB2_7:
0x4d: {  	p0 =	sne.s32 s17, $0xFF;
	v12 =	vsel vm0, v8, v5  }
0x4e: {  	v11 =	vld [tilespmem:s18+$0x0];
	v8 =	vsel vm2, v0, v4;
	v0 =	vsel vm2, s15, v0;
	vm0 =	vmmov vm4;
	s15 =	smov.u32 s16;
	s16 =	smov.u32 s17;
	s17 =	sadd.s32 $0x1, s17  }
.Ltmp2:
0x4f: {  	v4 =	vsel vm0, s15, v8;
	v5 =	vsel vm1, s15, v12;
	v1 =	vsel vm3, s15, v1;
	(pc) =	sbr.rel @p0 .LBB2_7-.Ltmp2, $4  }
0x50: {  	vm2 =	vgt.f32 v2, v3;
	v9 =	vsel vm3, v2, v9;
	v1 =	vsel vm1, v12, v1  }
0x51: {  	v13 =	vsel vm1, v2, v7;
	v3 =	vsel vm2, v2, v3;
	v12 =	vsel vm0, v2, v6  }
0x52: {  	v9 =	vsel vm1, v7, v9;
	v7 =	vsel vm0, v6, v13;
	v6 =	vsel vm2, v10, v12;
	v10 =	vmovc v3  }
0x53: {  	s18 =	sadd.s32 $0x80, s18;
	vm4 =	vgt.f32 v11, v6;
	vm1 =	vgt.f32 v11, v7;
	vm3 =	vgt.f32 v11, v9;
	v2 =	vmovc v11  }
0x54: {  	v6 =	vsel vm2, s15, v0  }
0x55: {  	v0 =	vsel vm2, v0, v4;
	vm2 =	vmmov vm4;
	vm4 =	vgt.f32 v2, v3  }
0x56: {  	v2 =	vsel vm0, v8, v5;
	v1 =	vsel vm3, s16, v1;
	v4 =	vsel vm4, s16, v6  }
0x57: {  	v3 =	vsel vm2, s16, v0;
	v1 =	vsel vm1, v2, v1;
	[tilespmem:$0x8020] =	vst v4  }
0x58: {  	v5 =	vsel vm1, s16, v2;
	v3 =	vsel vm4, v6, v3;
	[tilespmem:$0x81A0] =	vst v1  }
0x59: {  	v0 =	vsel vm2, v0, v5;
	[tilespmem:$0x80A0] =	vst v3  }
0x5a: {  	s30 =	simm.s32 $0x30;
	[tilespmem:$0x8120] =	vst v0  }
0x5b: {  	v3 =	vld [tilespmem:s30+$0x0];
	_ =	sdelay $0x2  }
0x5c: {  	s31 =	simm.s32 $0xB0  }
0x5d: {  	v8 =	vimm.f32 $-1.000000020e+30;
	v2 =	vld [tilespmem:s31+$0x0]  }
0x5e: {  	s15 =	simm.s32 $0x0;
	v0 =	vimm.s32 $0x100;
	vm1 =	vgt.f32 v3, v8;
	vm2 =	vgt.f32 v3, v8  }
0x5f: {  	vm0 =	vmmov vm1;
	v5 =	vsel vm1, s15, v0;
	v1 =	vsel vm1, s15, v0  }
0x60: {  	v9 =	vsel vm1, v3, v8;
	v4 =	vsel vm0, s15, v0;
	v6 =	vsel vm0, v3, v8  }
0x61: {  	v1 =	vsel vm1, v0, v1;
	v3 =	vsel vm2, v3, v8;
	v7 =	vsel vm0, v8, v9  }
0x62: {  	v9 =	vsel vm1, v8, v9;
	v6 =	vsel vm2, v8, v6;
	vm1 =	vgt.f32 v2, v7  }
0x63: {  	s17 =	simm.s32 $0x2;
	s18 =	simm.s32 $0x130;
	s16 =	simm.s32 $0x1;
	vm3 =	vgt.f32 v2, v9;
	v8 =	vimm.s32 $0x100;
	v10 =	vmovc v3;
	vm4 =	vgt.f32 v2, v6  }
.LBB2_9:
0x64: {  	p0 =	sne.s32 s17, $0xFF;
	v12 =	vsel vm0, v8, v5  }
0x65: {  	v11 =	vld [tilespmem:s18+$0x0];
	v8 =	vsel vm2, v0, v4;
	v0 =	vsel vm2, s15, v0;
	vm0 =	vmmov vm4;
	s15 =	smov.u32 s16;
	s16 =	smov.u32 s17;
	s17 =	sadd.s32 $0x1, s17  }
.Ltmp3:
0x66: {  	v4 =	vsel vm0, s15, v8;
	v5 =	vsel vm1, s15, v12;
	v1 =	vsel vm3, s15, v1;
	(pc) =	sbr.rel @p0 .LBB2_9-.Ltmp3, $4  }
0x67: {  	vm2 =	vgt.f32 v2, v3;
	v9 =	vsel vm3, v2, v9;
	v1 =	vsel vm1, v12, v1  }
0x68: {  	v13 =	vsel vm1, v2, v7;
	v3 =	vsel vm2, v2, v3;
	v12 =	vsel vm0, v2, v6  }
0x69: {  	v9 =	vsel vm1, v7, v9;
	v7 =	vsel vm0, v6, v13;
	v6 =	vsel vm2, v10, v12;
	v10 =	vmovc v3  }
0x6a: {  	s18 =	sadd.s32 $0x80, s18;
	vm4 =	vgt.f32 v11, v6;
	vm1 =	vgt.f32 v11, v7;
	vm3 =	vgt.f32 v11, v9;
	v2 =	vmovc v11  }
0x6b: {  	v6 =	vsel vm2, s15, v0  }
0x6c: {  	v0 =	vsel vm2, v0, v4;
	vm2 =	vmmov vm4;
	vm4 =	vgt.f32 v2, v3  }
0x6d: {  	v2 =	vsel vm0, v8, v5;
	v1 =	vsel vm3, s16, v1;
	v4 =	vsel vm4, s16, v6  }
0x6e: {  	v3 =	vsel vm2, s16, v0;
	v1 =	vsel vm1, v2, v1;
	[tilespmem:$0x8030] =	vst v4  }
0x6f: {  	v5 =	vsel vm1, s16, v2;
	v3 =	vsel vm4, v6, v3;
	[tilespmem:$0x81B0] =	vst v1  }
0x70: {  	v0 =	vsel vm2, v0, v5;
	[tilespmem:$0x80B0] =	vst v3  }
0x71: {  	s30 =	simm.s32 $0x40;
	[tilespmem:$0x8130] =	vst v0  }
0x72: {  	v3 =	vld [tilespmem:s30+$0x0];
	_ =	sdelay $0x2  }
0x73: {  	s31 =	simm.s32 $0xC0  }
0x74: {  	v8 =	vimm.f32 $-1.000000020e+30;
	v2 =	vld [tilespmem:s31+$0x0]  }
0x75: {  	s15 =	simm.s32 $0x0;
	v0 =	vimm.s32 $0x100;
	vm1 =	vgt.f32 v3, v8;
	vm2 =	vgt.f32 v3, v8  }
0x76: {  	vm0 =	vmmov vm1;
	v5 =	vsel vm1, s15, v0;
	v1 =	vsel vm1, s15, v0  }
0x77: {  	v9 =	vsel vm1, v3, v8;
	v4 =	vsel vm0, s15, v0;
	v6 =	vsel vm0, v3, v8  }
0x78: {  	v1 =	vsel vm1, v0, v1;
	v3 =	vsel vm2, v3, v8;
	v7 =	vsel vm0, v8, v9  }
0x79: {  	v9 =	vsel vm1, v8, v9;
	v6 =	vsel vm2, v8, v6;
	vm1 =	vgt.f32 v2, v7  }
0x7a: {  	s17 =	simm.s32 $0x2;
	s18 =	simm.s32 $0x140;
	s16 =	simm.s32 $0x1;
	vm3 =	vgt.f32 v2, v9;
	v8 =	vimm.s32 $0x100;
	v10 =	vmovc v3;
	vm4 =	vgt.f32 v2, v6  }
.LBB2_11:
0x7b: {  	p0 =	sne.s32 s17, $0xFF;
	v12 =	vsel vm0, v8, v5  }
0x7c: {  	v11 =	vld [tilespmem:s18+$0x0];
	v8 =	vsel vm2, v0, v4;
	v0 =	vsel vm2, s15, v0;
	vm0 =	vmmov vm4;
	s15 =	smov.u32 s16;
	s16 =	smov.u32 s17;
	s17 =	sadd.s32 $0x1, s17  }
.Ltmp4:
0x7d: {  	v4 =	vsel vm0, s15, v8;
	v5 =	vsel vm1, s15, v12;
	v1 =	vsel vm3, s15, v1;
	(pc) =	sbr.rel @p0 .LBB2_11-.Ltmp4, $4  }
0x7e: {  	vm2 =	vgt.f32 v2, v3;
	v9 =	vsel vm3, v2, v9;
	v1 =	vsel vm1, v12, v1  }
0x7f: {  	v13 =	vsel vm1, v2, v7;
	v3 =	vsel vm2, v2, v3;
	v12 =	vsel vm0, v2, v6  }
0x80: {  	v9 =	vsel vm1, v7, v9;
	v7 =	vsel vm0, v6, v13;
	v6 =	vsel vm2, v10, v12;
	v10 =	vmovc v3  }
0x81: {  	s18 =	sadd.s32 $0x80, s18;
	vm4 =	vgt.f32 v11, v6;
	vm1 =	vgt.f32 v11, v7;
	vm3 =	vgt.f32 v11, v9;
	v2 =	vmovc v11  }
0x82: {  	v6 =	vsel vm2, s15, v0  }
0x83: {  	v0 =	vsel vm2, v0, v4;
	vm2 =	vmmov vm4;
	vm4 =	vgt.f32 v2, v3  }
0x84: {  	v2 =	vsel vm0, v8, v5;
	v1 =	vsel vm3, s16, v1;
	v4 =	vsel vm4, s16, v6  }
0x85: {  	v3 =	vsel vm2, s16, v0;
	v1 =	vsel vm1, v2, v1;
	[tilespmem:$0x8040] =	vst v4  }
0x86: {  	v5 =	vsel vm1, s16, v2;
	v3 =	vsel vm4, v6, v3;
	[tilespmem:$0x81C0] =	vst v1  }
0x87: {  	v0 =	vsel vm2, v0, v5;
	[tilespmem:$0x80C0] =	vst v3  }
0x88: {  	s30 =	simm.s32 $0x50;
	[tilespmem:$0x8140] =	vst v0  }
0x89: {  	v3 =	vld [tilespmem:s30+$0x0];
	_ =	sdelay $0x2  }
0x8a: {  	s31 =	simm.s32 $0xD0  }
0x8b: {  	v8 =	vimm.f32 $-1.000000020e+30;
	v2 =	vld [tilespmem:s31+$0x0]  }
0x8c: {  	s15 =	simm.s32 $0x0;
	v0 =	vimm.s32 $0x100;
	vm1 =	vgt.f32 v3, v8;
	vm2 =	vgt.f32 v3, v8  }
0x8d: {  	vm0 =	vmmov vm1;
	v5 =	vsel vm1, s15, v0;
	v1 =	vsel vm1, s15, v0  }
0x8e: {  	v9 =	vsel vm1, v3, v8;
	v4 =	vsel vm0, s15, v0;
	v6 =	vsel vm0, v3, v8  }
0x8f: {  	v1 =	vsel vm1, v0, v1;
	v3 =	vsel vm2, v3, v8;
	v7 =	vsel vm0, v8, v9  }
0x90: {  	v9 =	vsel vm1, v8, v9;
	v6 =	vsel vm2, v8, v6;
	vm1 =	vgt.f32 v2, v7  }
0x91: {  	s17 =	simm.s32 $0x2;
	s18 =	simm.s32 $0x150;
	s16 =	simm.s32 $0x1;
	vm3 =	vgt.f32 v2, v9;
	v8 =	vimm.s32 $0x100;
	v10 =	vmovc v3;
	vm4 =	vgt.f32 v2, v6  }
.LBB2_13:
0x92: {  	p0 =	sne.s32 s17, $0xFF;
	v12 =	vsel vm0, v8, v5  }
0x93: {  	v11 =	vld [tilespmem:s18+$0x0];
	v8 =	vsel vm2, v0, v4;
	v0 =	vsel vm2, s15, v0;
	vm0 =	vmmov vm4;
	s15 =	smov.u32 s16;
	s16 =	smov.u32 s17;
	s17 =	sadd.s32 $0x1, s17  }
.Ltmp5:
0x94: {  	v4 =	vsel vm0, s15, v8;
	v5 =	vsel vm1, s15, v12;
	v1 =	vsel vm3, s15, v1;
	(pc) =	sbr.rel @p0 .LBB2_13-.Ltmp5, $4  }
0x95: {  	vm2 =	vgt.f32 v2, v3;
	v9 =	vsel vm3, v2, v9;
	v1 =	vsel vm1, v12, v1  }
0x96: {  	v13 =	vsel vm1, v2, v7;
	v3 =	vsel vm2, v2, v3;
	v12 =	vsel vm0, v2, v6  }
0x97: {  	v9 =	vsel vm1, v7, v9;
	v7 =	vsel vm0, v6, v13;
	v6 =	vsel vm2, v10, v12;
	v10 =	vmovc v3  }
0x98: {  	s18 =	sadd.s32 $0x80, s18;
	vm4 =	vgt.f32 v11, v6;
	vm1 =	vgt.f32 v11, v7;
	vm3 =	vgt.f32 v11, v9;
	v2 =	vmovc v11  }
0x99: {  	v6 =	vsel vm2, s15, v0  }
0x9a: {  	v0 =	vsel vm2, v0, v4;
	vm2 =	vmmov vm4;
	vm4 =	vgt.f32 v2, v3  }
0x9b: {  	v2 =	vsel vm0, v8, v5;
	v1 =	vsel vm3, s16, v1;
	v4 =	vsel vm4, s16, v6  }
0x9c: {  	v3 =	vsel vm2, s16, v0;
	v1 =	vsel vm1, v2, v1;
	[tilespmem:$0x8050] =	vst v4  }
0x9d: {  	v5 =	vsel vm1, s16, v2;
	v3 =	vsel vm4, v6, v3;
	[tilespmem:$0x81D0] =	vst v1  }
0x9e: {  	v0 =	vsel vm2, v0, v5;
	[tilespmem:$0x80D0] =	vst v3  }
0x9f: {  	s30 =	simm.s32 $0x60;
	[tilespmem:$0x8150] =	vst v0  }
0xa0: {  	v3 =	vld [tilespmem:s30+$0x0];
	_ =	sdelay $0x2  }
0xa1: {  	s31 =	simm.s32 $0xE0  }
0xa2: {  	v8 =	vimm.f32 $-1.000000020e+30;
	v2 =	vld [tilespmem:s31+$0x0]  }
0xa3: {  	s15 =	simm.s32 $0x0;
	v0 =	vimm.s32 $0x100;
	vm1 =	vgt.f32 v3, v8;
	vm2 =	vgt.f32 v3, v8  }
0xa4: {  	vm0 =	vmmov vm1;
	v5 =	vsel vm1, s15, v0;
	v1 =	vsel vm1, s15, v0  }
0xa5: {  	v9 =	vsel vm1, v3, v8;
	v4 =	vsel vm0, s15, v0;
	v6 =	vsel vm0, v3, v8  }
0xa6: {  	v1 =	vsel vm1, v0, v1;
	v3 =	vsel vm2, v3, v8;
	v7 =	vsel vm0, v8, v9  }
0xa7: {  	v9 =	vsel vm1, v8, v9;
	v6 =	vsel vm2, v8, v6;
	vm1 =	vgt.f32 v2, v7  }
0xa8: {  	s17 =	simm.s32 $0x2;
	s18 =	simm.s32 $0x160;
	s16 =	simm.s32 $0x1;
	vm3 =	vgt.f32 v2, v9;
	v8 =	vimm.s32 $0x100;
	v10 =	vmovc v3;
	vm4 =	vgt.f32 v2, v6  }
.LBB2_15:
0xa9: {  	p0 =	sne.s32 s17, $0xFF;
	v12 =	vsel vm0, v8, v5  }
0xaa: {  	v11 =	vld [tilespmem:s18+$0x0];
	v8 =	vsel vm2, v0, v4;
	v0 =	vsel vm2, s15, v0;
	vm0 =	vmmov vm4;
	s15 =	smov.u32 s16;
	s16 =	smov.u32 s17;
	s17 =	sadd.s32 $0x1, s17  }
.Ltmp6:
0xab: {  	v4 =	vsel vm0, s15, v8;
	v5 =	vsel vm1, s15, v12;
	v1 =	vsel vm3, s15, v1;
	(pc) =	sbr.rel @p0 .LBB2_15-.Ltmp6, $4  }
0xac: {  	vm2 =	vgt.f32 v2, v3;
	v9 =	vsel vm3, v2, v9;
	v1 =	vsel vm1, v12, v1  }
0xad: {  	v13 =	vsel vm1, v2, v7;
	v3 =	vsel vm2, v2, v3;
	v12 =	vsel vm0, v2, v6  }
0xae: {  	v9 =	vsel vm1, v7, v9;
	v7 =	vsel vm0, v6, v13;
	v6 =	vsel vm2, v10, v12;
	v10 =	vmovc v3  }
0xaf: {  	s18 =	sadd.s32 $0x80, s18;
	vm4 =	vgt.f32 v11, v6;
	vm1 =	vgt.f32 v11, v7;
	vm3 =	vgt.f32 v11, v9;
	v2 =	vmovc v11  }
0xb0: {  	v6 =	vsel vm2, s15, v0  }
0xb1: {  	v0 =	vsel vm2, v0, v4;
	vm2 =	vmmov vm4;
	vm4 =	vgt.f32 v2, v3  }
0xb2: {  	v2 =	vsel vm0, v8, v5;
	v1 =	vsel vm3, s16, v1;
	v4 =	vsel vm4, s16, v6  }
0xb3: {  	v3 =	vsel vm2, s16, v0;
	v1 =	vsel vm1, v2, v1;
	[tilespmem:$0x8060] =	vst v4  }
0xb4: {  	v5 =	vsel vm1, s16, v2;
	v3 =	vsel vm4, v6, v3;
	[tilespmem:$0x81E0] =	vst v1  }
0xb5: {  	v0 =	vsel vm2, v0, v5;
	[tilespmem:$0x80E0] =	vst v3  }
0xb6: {  	s30 =	simm.s32 $0x70;
	[tilespmem:$0x8160] =	vst v0  }
0xb7: {  	v3 =	vld [tilespmem:s30+$0x0];
	_ =	sdelay $0x2  }
0xb8: {  	s31 =	simm.s32 $0xF0  }
0xb9: {  	v8 =	vimm.f32 $-1.000000020e+30;
	v2 =	vld [tilespmem:s31+$0x0]  }
0xba: {  	s15 =	simm.s32 $0x0;
	v0 =	vimm.s32 $0x100;
	vm1 =	vgt.f32 v3, v8;
	vm2 =	vgt.f32 v3, v8  }
0xbb: {  	vm0 =	vmmov vm1;
	v5 =	vsel vm1, s15, v0;
	v1 =	vsel vm1, s15, v0  }
0xbc: {  	v9 =	vsel vm1, v3, v8;
	v4 =	vsel vm0, s15, v0;
	v6 =	vsel vm0, v3, v8  }
0xbd: {  	v1 =	vsel vm1, v0, v1;
	v3 =	vsel vm2, v3, v8;
	v7 =	vsel vm0, v8, v9  }
0xbe: {  	v9 =	vsel vm1, v8, v9;
	v6 =	vsel vm2, v8, v6;
	vm1 =	vgt.f32 v2, v7  }
0xbf: {  	s17 =	simm.s32 $0x2;
	s18 =	simm.s32 $0x170;
	s16 =	simm.s32 $0x1;
	vm3 =	vgt.f32 v2, v9;
	v8 =	vimm.s32 $0x100;
	v10 =	vmovc v3;
	vm4 =	vgt.f32 v2, v6  }
.LBB2_17:
0xc0: {  	p0 =	sne.s32 s17, $0xFF;
	v12 =	vsel vm0, v8, v5  }
0xc1: {  	v11 =	vld [tilespmem:s18+$0x0];
	v8 =	vsel vm2, v0, v4;
	v0 =	vsel vm2, s15, v0;
	vm0 =	vmmov vm4;
	s15 =	smov.u32 s16;
	s16 =	smov.u32 s17;
	s17 =	sadd.s32 $0x1, s17  }
.Ltmp7:
0xc2: {  	v4 =	vsel vm0, s15, v8;
	v5 =	vsel vm1, s15, v12;
	v1 =	vsel vm3, s15, v1;
	(pc) =	sbr.rel @p0 .LBB2_17-.Ltmp7, $4  }
0xc3: {  	vm2 =	vgt.f32 v2, v3;
	v9 =	vsel vm3, v2, v9;
	v1 =	vsel vm1, v12, v1  }
0xc4: {  	v13 =	vsel vm1, v2, v7;
	v3 =	vsel vm2, v2, v3;
	v12 =	vsel vm0, v2, v6  }
0xc5: {  	v9 =	vsel vm1, v7, v9;
	v7 =	vsel vm0, v6, v13;
	v6 =	vsel vm2, v10, v12;
	v10 =	vmovc v3  }
0xc6: {  	s18 =	sadd.s32 $0x80, s18;
	vm4 =	vgt.f32 v11, v6;
	vm1 =	vgt.f32 v11, v7;
	vm3 =	vgt.f32 v11, v9;
	v2 =	vmovc v11  }
0xc7: {  	v6 =	vsel vm2, s15, v0  }
0xc8: {  	v60 =	vsel vm2, v0, v4;
	vm14 =	vmmov vm4;
	vm15 =	vgt.f32 v2, v3  }
0xc9: {  	v61 =	vsel vm0, v8, v5;
	v1 =	vsel vm3, s16, v1;
	v63 =	vsel vm15, s16, v6  }
0xca: {  	s13 =	sshll.u32 s13, $0xD;
	s14 =	sshll.u32 s14, $0x2;
	v62 =	vsel vm14, s16, v60;
	v1 =	vsel vm1, v61, v1;
	[tilespmem:$0x8070] =	vst v63  }
0xcb: {  	s12 =	sadd.s32 $0x1, s12;
	v5 =	vsel vm1, s16, v61;
	s13 =	sadd.s32 s13, s14;
	v3 =	vsel vm15, v6, v62;
	[tilespmem:$0x81F0] =	vst v1  }
0xcc: {  	p0 =	sne.s32 s12, $0x6;
	v0 =	vsel vm14, v60, v5;
	s13 =	sshrl.u32 s13, $0x3;
	[tilespmem:$0x80F0] =	vst v3  }
.Ltmp8:
0xcd: {  	[tilespmem:$0x8170] =	vst v0;
	s13 =	sadd.s32 s2, s13;
	(pc) =	sbr.rel @p0 .LBB2_2-.Ltmp8, $4  }
0xce: {  	[hbm4b:s13+s3] =	stream.linear.scatter [tilespmem:s10], [sflag:$0x1], $0x200, $0x38;
	[tilespmem:$0x8200] =	vst v63  }
0xcf: {  	_ =	swait.ge [sflag:s9], $0x200  }
0xd0: {  	[sflag:s9] =	ssyncset.done $0x0  }
0xd1: {  	[sflag:s9] =	ssyncadd.s32 $0xFFFFFE00  }
0xd2: {  	s11 =	sadd.s32 $0x1, s11  }
0xd3: {  	p0 =	sne.s32 s11, s6  }
.Ltmp9:
0xd4: {  	_ = 	snop;
	(pc) =	sbr.rel @p0 .LBB2_1-.Ltmp9, $1  }
0xd5: {  	_ =	sdelay $0x3  }
0xd6: {  	_ =	sfence.sel $0x180000  }
0xd7: {  	[bflag:$0x0] =	sbarrier.arrive $0xFFFF  }
0xd8: {  	p0 =	sne.s32 s1, $0x0;
	_ =	strace $0x90000047  }
0xd9: {  	s0 =	sadd.s32 @!p0 $0x100000, s0;
	[bflag:$0x2] =	sbarrier.arrive $0xFFFF  }
0xda: {  	[sflag:s0] =	ssyncadd.tile.s32 @!p0 $0x1;
	_ =	shalt  }
.Lfunc_end2:
_tile_overlayer_lowered:
.L_overlay_start_2:
0xdb: {  	(tag) =	ssettag $0x2  }
0xdc: {  	s0 =	rddreg [dreg:$0x0];
	s2 =	stileid.u32  }
0xdd: {  	s1 =	rddreg [dreg:$0x1];
	p0 =	sne.s32 s2, $0x0  }
0xde: {  	s3 =	rddreg [dreg:$0x2];
	[bflag:$0x3] =	sbarrier.arrive $0xFFFF;
	s2 =	simm.s32 @!p0 $0x1C01  }
0xdf: {  	[timem:s3], [sflag:s2] =	dma.local @!p0 [hbm:s0], s1  }
0xe0: {  	s0 =	simm.s32 @!p0 $0x1  }
0xe1: {  	_ =	swait.ge @!p0 [sflag:s0], s1  }
0xe2: {  	s1 =	ssub.s32 @!p0 $0x0, s1;
	[sflag:s0] =	ssyncset.done @!p0 $0x0  }
0xe3: {  	[sflag:s0] =	ssyncadd.s32 @!p0 s1  }
0xe4: {  	[bflag:$0x3] =	sbarrier.arrive $0xFFFF  }
0xe5: {  	_ =	shalt  }

</sc_bundles>
